<compile_context>
chip_gen: v7x
topology: tpu7x:2x2x1
jax: 0.10.2.dev20260603
libtpu: 0.0.44.dev20260713+nightly
codegen_flags: <defaults>
</compile_context>

<pallas_src>
import functools

import jax
import jax.numpy as jnp
from jax import lax
from jax.experimental import pallas as pl
from jax.experimental.pallas import tpu as pltpu
from jax.experimental.pallas import tpu_sc as plsc

N = 10000
E = 320000
D = 128

NC = 2
NS = 16
NW = NC * NS
NPAD = 10240
RPT = NPAD // NS
CH = 128
EPT = 10240
NCHUNK = EPT // CH
EPAD = NW * EPT

_mesh = plsc.VectorSubcoreMesh(core_axis_name="c", subcore_axis_name="s")



@functools.partial(
    pl.kernel,
    out_type=jax.ShapeDtypeStruct((NC, NPAD), jnp.float32),
    mesh=_mesh,
    scratch_types=[
        pltpu.VMEM((NCHUNK, CH), jnp.int32),
        pltpu.VMEM((CH,), jnp.float32),
        pltpu.VMEM_SHARED((NPAD,), jnp.float32),
    ],
)
def _deg_kernel(dst_hbm, ones_hbm, zeros_hbm, deg_out, didx_v, ones_v, acc_sh):
    c = lax.axis_index("c")
    s = lax.axis_index("s")
    wid = c * NS + s
    pltpu.sync_copy(zeros_hbm, acc_sh.at[pl.ds(s * RPT, RPT)])
    pltpu.sync_copy(ones_hbm, ones_v)
    pltpu.sync_copy(dst_hbm.at[wid], didx_v)
    plsc.subcore_barrier()

    @pl.loop(0, NCHUNK)
    def _(i):
        pltpu.sync_copy(ones_v, acc_sh.at[didx_v.at[i]], add=True)

    plsc.subcore_barrier()
    pltpu.sync_copy(acc_sh.at[pl.ds(s * RPT, RPT)],
                    deg_out.at[c, pl.ds(s * RPT, RPT)])


@functools.partial(
    pl.kernel,
    out_type=jax.ShapeDtypeStruct((NC, NPAD, D), jnp.float32),
    mesh=_mesh,
    scratch_types=[
        pltpu.VMEM((NCHUNK, CH), jnp.int32),
        pltpu.VMEM((2, CH), jnp.int32),
        pltpu.VMEM((CH, D), jnp.float32),
        pltpu.VMEM((CH, D), jnp.float32),
        pltpu.VMEM_SHARED((NPAD, D), jnp.float32),
        pltpu.SemaphoreType.DMA,
        pltpu.SemaphoreType.DMA,
        pltpu.SemaphoreType.DMA,
        pltpu.SemaphoreType.DMA,
    ],
)
def _agg_kernel(g_hbm, src_hbm, dst_hbm, zrows_hbm, parts_out,
                sidx_v, didx_v, rows0_v, rows1_v, acc_sh,
                sem0, sem1, semd0, semd1):
    c = lax.axis_index("c")
    s = lax.axis_index("s")
    wid = c * NS + s

    @pl.loop(0, RPT // CH)
    def _(j):
        pltpu.sync_copy(zrows_hbm, acc_sh.at[pl.ds(s * RPT + j * CH, CH)])

    pltpu.sync_copy(src_hbm.at[wid], sidx_v)
    plsc.subcore_barrier()

    pltpu.async_copy(g_hbm.at[sidx_v.at[0]], rows0_v, sem0)
    pltpu.async_copy(dst_hbm.at[wid, 0], didx_v.at[0], semd0)
    pltpu.async_copy(g_hbm.at[sidx_v.at[1]], rows1_v, sem1)
    pltpu.async_copy(dst_hbm.at[wid, 1], didx_v.at[1], semd1)

    @pl.loop(0, NCHUNK // 2 - 1)
    def _(p):
        i = p * 2
        pltpu.make_async_copy(g_hbm.at[sidx_v.at[i]], rows0_v, sem0).wait()
        pltpu.make_async_copy(dst_hbm.at[wid, i], didx_v.at[0], semd0).wait()
        pltpu.sync_copy(rows0_v, acc_sh.at[didx_v.at[0]], add=True)
        pltpu.async_copy(g_hbm.at[sidx_v.at[i + 2]], rows0_v, sem0)
        pltpu.async_copy(dst_hbm.at[wid, i + 2], didx_v.at[0], semd0)
        pltpu.make_async_copy(g_hbm.at[sidx_v.at[i + 1]], rows1_v, sem1).wait()
        pltpu.make_async_copy(dst_hbm.at[wid, i + 1], didx_v.at[1], semd1).wait()
        pltpu.sync_copy(rows1_v, acc_sh.at[didx_v.at[1]], add=True)
        pltpu.async_copy(g_hbm.at[sidx_v.at[i + 3]], rows1_v, sem1)
        pltpu.async_copy(dst_hbm.at[wid, i + 3], didx_v.at[1], semd1)

    i_last = NCHUNK - 2
    pltpu.make_async_copy(g_hbm.at[sidx_v.at[i_last]], rows0_v, sem0).wait()
    pltpu.make_async_copy(dst_hbm.at[wid, i_last], didx_v.at[0], semd0).wait()
    pltpu.sync_copy(rows0_v, acc_sh.at[didx_v.at[0]], add=True)
    pltpu.make_async_copy(g_hbm.at[sidx_v.at[i_last + 1]], rows1_v, sem1).wait()
    pltpu.make_async_copy(dst_hbm.at[wid, i_last + 1], didx_v.at[1], semd1).wait()
    pltpu.sync_copy(rows1_v, acc_sh.at[didx_v.at[1]], add=True)

    plsc.subcore_barrier()

    @pl.loop(0, RPT // CH)
    def _(j):
        r = s * RPT + j * CH
        pltpu.sync_copy(acc_sh.at[pl.ds(r, CH)], parts_out.at[c, pl.ds(r, CH)])



BLK = 1024


def _k1_body(parts_ref, x_ref, w_ref, g_ref, dinv_ref):
    deg = parts_ref[0, :] + parts_ref[1, :] + 1.0
    dinv = lax.rsqrt(deg)
    h = jnp.dot(x_ref[...], w_ref[...], preferred_element_type=jnp.float32)
    g_ref[...] = h * dinv[:, None]
    dinv_ref[...] = dinv[:, None]


def _k1(parts, x_p, w1):
    return pl.pallas_call(
        _k1_body,
        grid=(NPAD // BLK,),
        in_specs=[
            pl.BlockSpec((NC, BLK), lambda i: (0, i)),
            pl.BlockSpec((BLK, D), lambda i: (i, 0)),
            pl.BlockSpec((D, D), lambda i: (0, 0)),
        ],
        out_specs=[
            pl.BlockSpec((BLK, D), lambda i: (i, 0)),
            pl.BlockSpec((BLK, 1), lambda i: (i, 0)),
        ],
        out_shape=[
            jax.ShapeDtypeStruct((NPAD, D), jnp.float32),
            jax.ShapeDtypeStruct((NPAD, 1), jnp.float32),
        ],
    )(parts, x_p, w1)


def _kmid_body(parts_ref, g1_ref, dinv_ref, b1_ref, w2_ref, g2_ref):
    a = parts_ref[0] + parts_ref[1] + g1_ref[...]
    dinv = dinv_ref[...]
    z = jnp.maximum(a * dinv + b1_ref[...], 0.0)
    g2_ref[...] = jnp.dot(z, w2_ref[...],
                          preferred_element_type=jnp.float32) * dinv


def _kmid(parts1, g1, dinv, b1, w2):
    return pl.pallas_call(
        _kmid_body,
        grid=(NPAD // BLK,),
        in_specs=[
            pl.BlockSpec((NC, BLK, D), lambda i: (0, i, 0)),
            pl.BlockSpec((BLK, D), lambda i: (i, 0)),
            pl.BlockSpec((BLK, 1), lambda i: (i, 0)),
            pl.BlockSpec((1, D), lambda i: (0, 0)),
            pl.BlockSpec((D, D), lambda i: (0, 0)),
        ],
        out_specs=pl.BlockSpec((BLK, D), lambda i: (i, 0)),
        out_shape=jax.ShapeDtypeStruct((NPAD, D), jnp.float32),
    )(parts1, g1, dinv, b1, w2)


def _kout_body(parts_ref, g2_ref, dinv_ref, b2_ref, out_ref):
    a = parts_ref[0] + parts_ref[1] + g2_ref[...]
    out_ref[...] = a * dinv_ref[...] + b2_ref[...]


def _kout(parts2, g2, dinv, b2):
    return pl.pallas_call(
        _kout_body,
        grid=(NPAD // BLK,),
        in_specs=[
            pl.BlockSpec((NC, BLK, D), lambda i: (0, i, 0)),
            pl.BlockSpec((BLK, D), lambda i: (i, 0)),
            pl.BlockSpec((BLK, 1), lambda i: (i, 0)),
            pl.BlockSpec((1, D), lambda i: (0, 0)),
        ],
        out_specs=pl.BlockSpec((BLK, D), lambda i: (i, 0)),
        out_shape=jax.ShapeDtypeStruct((NPAD, D), jnp.float32),
    )(parts2, g2, dinv, b2)



def kernel(x, edge_index, W1, b1, W2, b2):
    src = edge_index[0]
    dst = edge_index[1]
    pad = jnp.full((EPAD - E,), N, dtype=jnp.int32)
    srcr = jnp.concatenate([src.astype(jnp.int32), pad]).reshape(NW, NCHUNK, CH)
    dstr = jnp.concatenate([dst.astype(jnp.int32), pad]).reshape(NW, NCHUNK, CH)
    x_p = jnp.zeros((NPAD, D), jnp.float32).at[:N].set(x)
    ones_ch = jnp.ones((CH,), jnp.float32)
    zeros_rpt = jnp.zeros((RPT,), jnp.float32)
    zrows = jnp.zeros((CH, D), jnp.float32)

    deg_parts = _deg_kernel(dstr, ones_ch, zeros_rpt)
    g1, dinv = _k1(deg_parts, x_p, W1)
    parts1 = _agg_kernel(g1, srcr, dstr, zrows)
    g2 = _kmid(parts1, g1, dinv, b1.reshape(1, D), W2)
    parts2 = _agg_kernel(g2, srcr, dstr, zrows)
    out = _kout(parts2, g2, dinv, b2.reshape(1, D))
    return out[:N]

# --- scband reference (transcript-rebuilt; emitter-appended) ---
"""Pipeline reference for scband-simple-gcn-34900904247990 (READ-ONLY COPY).

The authoritative reference and input builder live on the scoring server;
editing this copy changes nothing except your own understanding.
"""

import jax, jax.numpy as jnp
import numpy as np

N_NODES = 10000
N_EDGES = 320000
D_IN = 128
D_HID = 128
D_OUT = 128


def _gcn_conv(x, edge_index, W, b):
    # Faithful GCNConv: add self-loops, symmetric deg^{-1/2} normalization,
    # linear transform, gather-by-src, scatter-add-by-dst, plus bias.
    N = x.shape[0]
    loops = jnp.arange(N, dtype=edge_index.dtype)
    src = jnp.concatenate([edge_index[0], loops])
    dst = jnp.concatenate([edge_index[1], loops])
    ones = jnp.ones(src.shape[0], dtype=x.dtype)
    deg = jax.ops.segment_sum(ones, dst, num_segments=N)
    dinv = jnp.where(deg > 0, jax.lax.rsqrt(jnp.maximum(deg, 1e-12)), 0.0)
    norm = dinv[src] * dinv[dst]
    h = x @ W
    msg = jnp.take(h, src, axis=0) * norm[:, None]
    out = jax.ops.segment_sum(msg, dst, num_segments=N)
    return out + b


def setup_inputs(seed: int = 0) -> dict:
    key = jax.random.key(seed)
    k1, k2, k3, k4, k5, k6 = jax.random.split(key, 6)
    x = jax.random.normal(k1, (N_NODES, D_IN), dtype=jnp.float32)
    edge_index = jax.random.randint(k2, (2, N_EDGES), 0, N_NODES, dtype=jnp.int32)
    # Glorot-style init for linear weights (PyG GCNConv default glorot + zero bias)
    s1 = (6.0 / (D_IN + D_HID)) ** 0.5
    s2 = (6.0 / (D_HID + D_OUT)) ** 0.5
    W1 = jax.random.uniform(k3, (D_IN, D_HID), dtype=jnp.float32, minval=-s1, maxval=s1)
    b1 = jnp.zeros((D_HID,), dtype=jnp.float32)
    W2 = jax.random.uniform(k4, (D_HID, D_OUT), dtype=jnp.float32, minval=-s2, maxval=s2)
    b2 = jnp.zeros((D_OUT,), dtype=jnp.float32)
    return {"x": x, "edge_index": edge_index, "W1": W1, "b1": b1, "W2": W2, "b2": b2}


def reference(x, edge_index, W1, b1, W2, b2):
    h = jax.nn.relu(_gcn_conv(x, edge_index, W1, b1))
    out = _gcn_conv(h, edge_index, W2, b2)
    return out

if __name__ == "__main__":
    import jax
    _d = setup_inputs()
    print(jax.jit(kernel)(*tuple(_d.values())))

</pallas_src>

<mosaic_0001>
#map = affine_map<(d0, d1) -> (0, 0, 0)>
#map1 = affine_map<(d0, d1) -> (0)>
#map2 = affine_map<(d0, d1) -> (0, 0)>
module attributes {stable_mosaic.version = 14 : i64} {
  func.func @_deg_kernel(%arg0: i32, %arg1: i32, %arg2: memref<32x80x128xi32, #tpu.memory_space<hbm>>, %arg3: memref<128xf32, #tpu.memory_space<hbm>>, %arg4: memref<640xf32, #tpu.memory_space<hbm>>, %arg5: memref<2x10240xf32, #tpu.memory_space<hbm>>, %arg6: memref<80x128xi32, #tpu.memory_space<vmem>>, %arg7: memref<128xf32, #tpu.memory_space<vmem>>, %arg8: memref<10240xf32, #tpu.memory_space<vmem_shared>>) attributes {dimension_semantics = [#tpu.dimension_semantics<core_parallel>, #tpu.dimension_semantics<subcore_parallel>], iteration_bounds = array<i64: 2, 16>, scalar_prefetch = 0 : i64, scratch_operands = 3 : i64, tpu.core_type = #tpu.core_type<sc_vector_subcore>, window_params = [{transform_indices = #map}, {transform_indices = #map1}, {transform_indices = #map1}, {transform_indices = #map2}]} {
    %mul3A = arith.constant 16 : i32
    %mul3A_0 = arith.muli %arg0, %mul3A : i32
    %add3A = arith.addi %mul3A_0, %arg1 : i32
    %mul3A_1 = arith.constant 640 : i32
    %mul3A_2 = arith.muli %arg1, %mul3A_1 : i32
    "tpu.region"() ({
      %run_scoped3A = tpu.sem_alloc : memref<!tpu.dma_semaphore, #tpu.memory_space<semaphore_mem>>
      %dma_start3A = tpu.memref_slice %arg8[%mul3A_2] : memref<10240xf32, #tpu.memory_space<vmem_shared>> -> memref<640xf32, #tpu.memory_space<vmem_shared>>
      tpu.enqueue_dma source(%arg4 : memref<640xf32, #tpu.memory_space<hbm>>) target(%dma_start3A : memref<640xf32, #tpu.memory_space<vmem_shared>>) target_semaphore(%run_scoped3A : memref<!tpu.dma_semaphore, #tpu.memory_space<semaphore_mem>>)
      %dma_wait3A = tpu.memref_slice %arg8[%mul3A_2] : memref<10240xf32, #tpu.memory_space<vmem_shared>> -> memref<640xf32, #tpu.memory_space<vmem_shared>>
      tpu.wait_dma2 semaphore(%run_scoped3A : memref<!tpu.dma_semaphore, #tpu.memory_space<semaphore_mem>>) src(%arg4 : memref<640xf32, #tpu.memory_space<hbm>>) dst(%dma_wait3A : memref<640xf32, #tpu.memory_space<vmem_shared>>)
      tpu.yield
    }) : () -> ()
    "tpu.region"() ({
      %run_scoped3A = tpu.sem_alloc : memref<!tpu.dma_semaphore, #tpu.memory_space<semaphore_mem>>
      tpu.enqueue_dma source(%arg3 : memref<128xf32, #tpu.memory_space<hbm>>) target(%arg7 : memref<128xf32, #tpu.memory_space<vmem>>) target_semaphore(%run_scoped3A : memref<!tpu.dma_semaphore, #tpu.memory_space<semaphore_mem>>)
      tpu.wait_dma2 semaphore(%run_scoped3A : memref<!tpu.dma_semaphore, #tpu.memory_space<semaphore_mem>>) src(%arg3 : memref<128xf32, #tpu.memory_space<hbm>>) dst(%arg7 : memref<128xf32, #tpu.memory_space<vmem>>)
      tpu.yield
    }) : () -> ()
    "tpu.region"() ({
      %run_scoped3A = tpu.sem_alloc : memref<!tpu.dma_semaphore, #tpu.memory_space<semaphore_mem>>
      %dma_start3A = arith.constant 0 : i32
      %dma_start3A_12 = arith.constant 0 : i32
      %dma_start3A_13 = tpu.memref_slice %arg2[%add3A, %dma_start3A, %dma_start3A_12] : memref<32x80x128xi32, #tpu.memory_space<hbm>> -> memref<1x80x128xi32, #tpu.memory_space<hbm>>
      %dma_start3A_14 = tpu.memref_squeeze %dma_start3A_13 : memref<1x80x128xi32, #tpu.memory_space<hbm>> -> memref<80x128xi32, #tpu.memory_space<hbm>>
      %dma_start3A_15 = arith.constant 0 : i32
      %dma_start3A_16 = arith.constant 0 : i32
      %dma_start3A_17 = tpu.memref_slice %arg2[%add3A, %dma_start3A_15, %dma_start3A_16] : memref<32x80x128xi32, #tpu.memory_space<hbm>> -> memref<1x80x128xi32, #tpu.memory_space<hbm>>
      %dma_start3A_18 = tpu.memref_squeeze %dma_start3A_17 : memref<1x80x128xi32, #tpu.memory_space<hbm>> -> memref<80x128xi32, #tpu.memory_space<hbm>>
      tpu.enqueue_dma source(%dma_start3A_18 : memref<80x128xi32, #tpu.memory_space<hbm>>) target(%arg6 : memref<80x128xi32, #tpu.memory_space<vmem>>) target_semaphore(%run_scoped3A : memref<!tpu.dma_semaphore, #tpu.memory_space<semaphore_mem>>)
      %dma_wait3A = arith.constant 0 : i32
      %dma_wait3A_19 = arith.constant 0 : i32
      %dma_wait3A_20 = tpu.memref_slice %arg2[%add3A, %dma_wait3A, %dma_wait3A_19] : memref<32x80x128xi32, #tpu.memory_space<hbm>> -> memref<1x80x128xi32, #tpu.memory_space<hbm>>
      %dma_wait3A_21 = tpu.memref_squeeze %dma_wait3A_20 : memref<1x80x128xi32, #tpu.memory_space<hbm>> -> memref<80x128xi32, #tpu.memory_space<hbm>>
      %dma_wait3A_22 = arith.constant 0 : i32
      %dma_wait3A_23 = arith.constant 0 : i32
      %dma_wait3A_24 = tpu.memref_slice %arg2[%add3A, %dma_wait3A_22, %dma_wait3A_23] : memref<32x80x128xi32, #tpu.memory_space<hbm>> -> memref<1x80x128xi32, #tpu.memory_space<hbm>>
      %dma_wait3A_25 = tpu.memref_squeeze %dma_wait3A_24 : memref<1x80x128xi32, #tpu.memory_space<hbm>> -> memref<80x128xi32, #tpu.memory_space<hbm>>
      tpu.wait_dma2 semaphore(%run_scoped3A : memref<!tpu.dma_semaphore, #tpu.memory_space<semaphore_mem>>) src(%dma_wait3A_25 : memref<80x128xi32, #tpu.memory_space<hbm>>) dst(%arg6 : memref<80x128xi32, #tpu.memory_space<vmem>>)
      tpu.yield
    }) : () -> ()
    %barrier3A = arith.constant 0 : index
    tpu.barrier barrier_id(%barrier3A)
    %scan3A = arith.constant 0 : i32
    %scan3A_3 = arith.constant 80 : i32
    %scan3A_4 = arith.addi %scan3A, %scan3A_3 : i32
    %scan3A_5 = arith.constant 1 : i32
    scf.for %scan3A_12 = %scan3A to %scan3A_4 step %scan3A_5  : i32 {
      %mul3A_13 = arith.constant 1 : i32
      %mul3A_14 = arith.muli %scan3A_12, %mul3A_13 : i32
      %add3A_15 = arith.constant 0 : i32
      %add3A_16 = arith.addi %add3A_15, %mul3A_14 : i32
      "tpu.region"() ({
        %run_scoped3A = tpu.sem_alloc : memref<!tpu.dma_semaphore, #tpu.memory_space<semaphore_mem>>
        %dma_start3A = arith.constant 0 : i32
        %dma_start3A_17 = tpu.memref_slice %arg6[%add3A_16, %dma_start3A] : memref<80x128xi32, #tpu.memory_space<vmem>> -> memref<1x128xi32, #tpu.memory_space<vmem>>
        %dma_start3A_18 = tpu.memref_squeeze %dma_start3A_17 : memref<1x128xi32, #tpu.memory_space<vmem>> -> memref<128xi32, #tpu.memory_space<vmem>>
        %dma_start3A_19 = arith.constant 0 : i32
        %dma_start3A_20 = tpu.memref_slice %arg8[%dma_start3A_19] : memref<10240xf32, #tpu.memory_space<vmem_shared>> -> memref<10240xf32, #tpu.memory_space<vmem_shared>>
        tpu.enqueue_indirect_dma source(%arg7 : memref<128xf32, #tpu.memory_space<vmem>>) target(%dma_start3A_20 : memref<10240xf32, #tpu.memory_space<vmem_shared>>) offsets(%dma_start3A_18 : memref<128xi32, #tpu.memory_space<vmem>>) semaphore(%run_scoped3A : memref<!tpu.dma_semaphore, #tpu.memory_space<semaphore_mem>>) {add = true}
        %dma_wait3A = arith.constant 0 : i32
        %dma_wait3A_21 = tpu.memref_slice %arg6[%add3A_16, %dma_wait3A] : memref<80x128xi32, #tpu.memory_space<vmem>> -> memref<1x128xi32, #tpu.memory_space<vmem>>
        %dma_wait3A_22 = tpu.memref_squeeze %dma_wait3A_21 : memref<1x128xi32, #tpu.memory_space<vmem>> -> memref<128xi32, #tpu.memory_space<vmem>>
        %dma_wait3A_23 = arith.constant 0 : i32
        %dma_wait3A_24 = tpu.memref_slice %arg8[%dma_wait3A_23] : memref<10240xf32, #tpu.memory_space<vmem_shared>> -> memref<10240xf32, #tpu.memory_space<vmem_shared>>
        tpu.wait_indirect_dma semaphore(%run_scoped3A : memref<!tpu.dma_semaphore, #tpu.memory_space<semaphore_mem>>) src(%arg7 : memref<128xf32, #tpu.memory_space<vmem>>) dst(%dma_wait3A_24 : memref<10240xf32, #tpu.memory_space<vmem_shared>>)
        tpu.yield
      }) : () -> ()
    }
    %scan3A_6 = arith.constant 80 : i32
    %barrier3A_7 = arith.constant 0 : index
    tpu.barrier barrier_id(%barrier3A_7)
    %mul3A_8 = arith.constant 640 : i32
    %mul3A_9 = arith.muli %arg1, %mul3A_8 : i32
    %mul3A_10 = arith.constant 640 : i32
    %mul3A_11 = arith.muli %arg1, %mul3A_10 : i32
    "tpu.region"() ({
      %run_scoped3A = tpu.sem_alloc : memref<!tpu.dma_semaphore, #tpu.memory_space<semaphore_mem>>
      %dma_start3A = tpu.memref_slice %arg5[%arg0, %mul3A_11] : memref<2x10240xf32, #tpu.memory_space<hbm>> -> memref<1x640xf32, #tpu.memory_space<hbm>>
      %dma_start3A_12 = tpu.memref_squeeze %dma_start3A : memref<1x640xf32, #tpu.memory_space<hbm>> -> memref<640xf32, #tpu.memory_space<hbm>>
      %dma_start3A_13 = tpu.memref_slice %arg8[%mul3A_9] : memref<10240xf32, #tpu.memory_space<vmem_shared>> -> memref<640xf32, #tpu.memory_space<vmem_shared>>
      tpu.enqueue_dma source(%dma_start3A_13 : memref<640xf32, #tpu.memory_space<vmem_shared>>) target(%dma_start3A_12 : memref<640xf32, #tpu.memory_space<hbm>>) target_semaphore(%run_scoped3A : memref<!tpu.dma_semaphore, #tpu.memory_space<semaphore_mem>>)
      %dma_wait3A = tpu.memref_slice %arg5[%arg0, %mul3A_11] : memref<2x10240xf32, #tpu.memory_space<hbm>> -> memref<1x640xf32, #tpu.memory_space<hbm>>
      %dma_wait3A_14 = tpu.memref_squeeze %dma_wait3A : memref<1x640xf32, #tpu.memory_space<hbm>> -> memref<640xf32, #tpu.memory_space<hbm>>
      %dma_wait3A_15 = tpu.memref_slice %arg8[%mul3A_9] : memref<10240xf32, #tpu.memory_space<vmem_shared>> -> memref<640xf32, #tpu.memory_space<vmem_shared>>
      tpu.wait_dma2 semaphore(%run_scoped3A : memref<!tpu.dma_semaphore, #tpu.memory_space<semaphore_mem>>) src(%dma_wait3A_15 : memref<640xf32, #tpu.memory_space<vmem_shared>>) dst(%dma_wait3A_14 : memref<640xf32, #tpu.memory_space<hbm>>)
      tpu.yield
    }) : () -> ()
    return
  }
}

#map = affine_map<(d0, d1) -> (0, 0)>
#map1 = affine_map<(d0, d1) -> (0, 0, 0)>
module attributes {stable_mosaic.version = 14 : i64} {
  func.func @_agg_kernel(%arg0: i32, %arg1: i32, %arg2: memref<10240x128xf32, #tpu.memory_space<hbm>>, %arg3: memref<32x80x128xi32, #tpu.memory_space<hbm>>, %arg4: memref<32x80x128xi32, #tpu.memory_space<hbm>>, %arg5: memref<128x128xf32, #tpu.memory_space<hbm>>, %arg6: memref<2x10240x128xf32, #tpu.memory_space<hbm>>, %arg7: memref<80x128xi32, #tpu.memory_space<vmem>>, %arg8: memref<2x128xi32, #tpu.memory_space<vmem>>, %arg9: memref<128x128xf32, #tpu.memory_space<vmem>>, %arg10: memref<128x128xf32, #tpu.memory_space<vmem>>, %arg11: memref<10240x128xf32, #tpu.memory_space<vmem_shared>>, %arg12: memref<!tpu.dma_semaphore, #tpu.memory_space<semaphore_mem>>, %arg13: memref<!tpu.dma_semaphore, #tpu.memory_space<semaphore_mem>>, %arg14: memref<!tpu.dma_semaphore, #tpu.memory_space<semaphore_mem>>, %arg15: memref<!tpu.dma_semaphore, #tpu.memory_space<semaphore_mem>>) attributes {dimension_semantics = [#tpu.dimension_semantics<core_parallel>, #tpu.dimension_semantics<subcore_parallel>], iteration_bounds = array<i64: 2, 16>, scalar_prefetch = 0 : i64, scratch_operands = 9 : i64, tpu.core_type = #tpu.core_type<sc_vector_subcore>, window_params = [{transform_indices = #map}, {transform_indices = #map1}, {transform_indices = #map1}, {transform_indices = #map}, {transform_indices = #map1}]} {
    %mul3A = arith.constant 16 : i32
    %mul3A_0 = arith.muli %arg0, %mul3A : i32
    %add3A = arith.addi %mul3A_0, %arg1 : i32
    %scan3A = arith.constant 0 : i32
    %scan3A_1 = arith.constant 5 : i32
    %scan3A_2 = arith.addi %scan3A, %scan3A_1 : i32
    %scan3A_3 = arith.constant 1 : i32
    scf.for %scan3A_99 = %scan3A to %scan3A_2 step %scan3A_3  : i32 {
      %mul3A_100 = arith.constant 1 : i32
      %mul3A_101 = arith.muli %scan3A_99, %mul3A_100 : i32
      %add3A_102 = arith.constant 0 : i32
      %add3A_103 = arith.addi %add3A_102, %mul3A_101 : i32
      %mul3A_104 = arith.constant 640 : i32
      %mul3A_105 = arith.muli %arg1, %mul3A_104 : i32
      %mul3A_106 = arith.constant 128 : i32
      %mul3A_107 = arith.muli %add3A_103, %mul3A_106 : i32
      %add3A_108 = arith.addi %mul3A_105, %mul3A_107 : i32
      "tpu.region"() ({
        %run_scoped3A_109 = tpu.sem_alloc : memref<!tpu.dma_semaphore, #tpu.memory_space<semaphore_mem>>
        %dma_start3A_110 = arith.constant 0 : i32
        %dma_start3A_111 = tpu.memref_slice %arg11[%add3A_108, %dma_start3A_110] : memref<10240x128xf32, #tpu.memory_space<vmem_shared>> -> memref<128x128xf32, #tpu.memory_space<vmem_shared>>
        tpu.enqueue_dma source(%arg5 : memref<128x128xf32, #tpu.memory_space<hbm>>) target(%dma_start3A_111 : memref<128x128xf32, #tpu.memory_space<vmem_shared>>) target_semaphore(%run_scoped3A_109 : memref<!tpu.dma_semaphore, #tpu.memory_space<semaphore_mem>>)
        %dma_wait3A_112 = arith.constant 0 : i32
        %dma_wait3A_113 = tpu.memref_slice %arg11[%add3A_108, %dma_wait3A_112] : memref<10240x128xf32, #tpu.memory_space<vmem_shared>> -> memref<128x128xf32, #tpu.memory_space<vmem_shared>>
        tpu.wait_dma2 semaphore(%run_scoped3A_109 : memref<!tpu.dma_semaphore, #tpu.memory_space<semaphore_mem>>) src(%arg5 : memref<128x128xf32, #tpu.memory_space<hbm>>) dst(%dma_wait3A_113 : memref<128x128xf32, #tpu.memory_space<vmem_shared>>)
        tpu.yield
      }) : () -> ()
    }
    %scan3A_4 = arith.constant 5 : i32
    "tpu.region"() ({
      %run_scoped3A_99 = tpu.sem_alloc : memref<!tpu.dma_semaphore, #tpu.memory_space<semaphore_mem>>
      %dma_start3A_100 = arith.constant 0 : i32
      %dma_start3A_101 = arith.constant 0 : i32
      %dma_start3A_102 = tpu.memref_slice %arg3[%add3A, %dma_start3A_100, %dma_start3A_101] : memref<32x80x128xi32, #tpu.memory_space<hbm>> -> memref<1x80x128xi32, #tpu.memory_space<hbm>>
      %dma_start3A_103 = tpu.memref_squeeze %dma_start3A_102 : memref<1x80x128xi32, #tpu.memory_space<hbm>> -> memref<80x128xi32, #tpu.memory_space<hbm>>
      %dma_start3A_104 = arith.constant 0 : i32
      %dma_start3A_105 = arith.constant 0 : i32
      %dma_start3A_106 = tpu.memref_slice %arg3[%add3A, %dma_start3A_104, %dma_start3A_105] : memref<32x80x128xi32, #tpu.memory_space<hbm>> -> memref<1x80x128xi32, #tpu.memory_space<hbm>>
      %dma_start3A_107 = tpu.memref_squeeze %dma_start3A_106 : memref<1x80x128xi32, #tpu.memory_space<hbm>> -> memref<80x128xi32, #tpu.memory_space<hbm>>
      tpu.enqueue_dma source(%dma_start3A_107 : memref<80x128xi32, #tpu.memory_space<hbm>>) target(%arg7 : memref<80x128xi32, #tpu.memory_space<vmem>>) target_semaphore(%run_scoped3A_99 : memref<!tpu.dma_semaphore, #tpu.memory_space<semaphore_mem>>)
      %dma_wait3A_108 = arith.constant 0 : i32
      %dma_wait3A_109 = arith.constant 0 : i32
      %dma_wait3A_110 = tpu.memref_slice %arg3[%add3A, %dma_wait3A_108, %dma_wait3A_109] : memref<32x80x128xi32, #tpu.memory_space<hbm>> -> memref<1x80x128xi32, #tpu.memory_space<hbm>>
      %dma_wait3A_111 = tpu.memref_squeeze %dma_wait3A_110 : memref<1x80x128xi32, #tpu.memory_space<hbm>> -> memref<80x128xi32, #tpu.memory_space<hbm>>
      %dma_wait3A_112 = arith.constant 0 : i32
      %dma_wait3A_113 = arith.constant 0 : i32
      %dma_wait3A_114 = tpu.memref_slice %arg3[%add3A, %dma_wait3A_112, %dma_wait3A_113] : memref<32x80x128xi32, #tpu.memory_space<hbm>> -> memref<1x80x128xi32, #tpu.memory_space<hbm>>
      %dma_wait3A_115 = tpu.memref_squeeze %dma_wait3A_114 : memref<1x80x128xi32, #tpu.memory_space<hbm>> -> memref<80x128xi32, #tpu.memory_space<hbm>>
      tpu.wait_dma2 semaphore(%run_scoped3A_99 : memref<!tpu.dma_semaphore, #tpu.memory_space<semaphore_mem>>) src(%dma_wait3A_115 : memref<80x128xi32, #tpu.memory_space<hbm>>) dst(%arg7 : memref<80x128xi32, #tpu.memory_space<vmem>>)
      tpu.yield
    }) : () -> ()
    %barrier3A = arith.constant 0 : index
    tpu.barrier barrier_id(%barrier3A)
    %dma_start3A = arith.constant 0 : i32
    %dma_start3A_5 = arith.constant 0 : i32
    %dma_start3A_6 = tpu.memref_slice %arg7[%dma_start3A, %dma_start3A_5] : memref<80x128xi32, #tpu.memory_space<vmem>> -> memref<1x128xi32, #tpu.memory_space<vmem>>
    %dma_start3A_7 = tpu.memref_squeeze %dma_start3A_6 : memref<1x128xi32, #tpu.memory_space<vmem>> -> memref<128xi32, #tpu.memory_space<vmem>>
    %dma_start3A_8 = arith.constant 0 : i32
    %dma_start3A_9 = arith.constant 0 : i32
    %dma_start3A_10 = tpu.memref_slice %arg2[%dma_start3A_8, %dma_start3A_9] : memref<10240x128xf32, #tpu.memory_space<hbm>> -> memref<10240x128xf32, #tpu.memory_space<hbm>>
    tpu.enqueue_indirect_dma source(%dma_start3A_10 : memref<10240x128xf32, #tpu.memory_space<hbm>>) target(%arg9 : memref<128x128xf32, #tpu.memory_space<vmem>>) offsets(%dma_start3A_7 : memref<128xi32, #tpu.memory_space<vmem>>) semaphore(%arg12 : memref<!tpu.dma_semaphore, #tpu.memory_space<semaphore_mem>>)
    %dma_start3A_11 = arith.constant 0 : i32
    %dma_start3A_12 = arith.constant 0 : i32
    %dma_start3A_13 = arith.constant 0 : i32
    %dma_start3A_14 = tpu.memref_slice %arg8[%dma_start3A_12, %dma_start3A_13] : memref<2x128xi32, #tpu.memory_space<vmem>> -> memref<1x128xi32, #tpu.memory_space<vmem>>
    %dma_start3A_15 = tpu.memref_squeeze %dma_start3A_14 : memref<1x128xi32, #tpu.memory_space<vmem>> -> memref<128xi32, #tpu.memory_space<vmem>>
    %dma_start3A_16 = arith.constant 0 : i32
    %dma_start3A_17 = tpu.memref_slice %arg4[%add3A, %dma_start3A_11, %dma_start3A_16] : memref<32x80x128xi32, #tpu.memory_space<hbm>> -> memref<1x1x128xi32, #tpu.memory_space<hbm>>
    %dma_start3A_18 = tpu.memref_squeeze %dma_start3A_17 : memref<1x1x128xi32, #tpu.memory_space<hbm>> -> memref<128xi32, #tpu.memory_space<hbm>>
    %dma_start3A_19 = arith.constant 0 : i32
    %dma_start3A_20 = tpu.memref_slice %arg8[%dma_start3A_12, %dma_start3A_19] : memref<2x128xi32, #tpu.memory_space<vmem>> -> memref<1x128xi32, #tpu.memory_space<vmem>>
    %dma_start3A_21 = tpu.memref_squeeze %dma_start3A_20 : memref<1x128xi32, #tpu.memory_space<vmem>> -> memref<128xi32, #tpu.memory_space<vmem>>
    %dma_start3A_22 = arith.constant 0 : i32
    %dma_start3A_23 = tpu.memref_slice %arg4[%add3A, %dma_start3A_11, %dma_start3A_22] : memref<32x80x128xi32, #tpu.memory_space<hbm>> -> memref<1x1x128xi32, #tpu.memory_space<hbm>>
    %dma_start3A_24 = tpu.memref_squeeze %dma_start3A_23 : memref<1x1x128xi32, #tpu.memory_space<hbm>> -> memref<128xi32, #tpu.memory_space<hbm>>
    tpu.enqueue_dma source(%dma_start3A_24 : memref<128xi32, #tpu.memory_space<hbm>>) target(%dma_start3A_21 : memref<128xi32, #tpu.memory_space<vmem>>) target_semaphore(%arg14 : memref<!tpu.dma_semaphore, #tpu.memory_space<semaphore_mem>>)
    %dma_start3A_25 = arith.constant 1 : i32
    %dma_start3A_26 = arith.constant 0 : i32
    %dma_start3A_27 = tpu.memref_slice %arg7[%dma_start3A_25, %dma_start3A_26] : memref<80x128xi32, #tpu.memory_space<vmem>> -> memref<1x128xi32, #tpu.memory_space<vmem>>
    %dma_start3A_28 = tpu.memref_squeeze %dma_start3A_27 : memref<1x128xi32, #tpu.memory_space<vmem>> -> memref<128xi32, #tpu.memory_space<vmem>>
    %dma_start3A_29 = arith.constant 0 : i32
    %dma_start3A_30 = arith.constant 0 : i32
    %dma_start3A_31 = tpu.memref_slice %arg2[%dma_start3A_29, %dma_start3A_30] : memref<10240x128xf32, #tpu.memory_space<hbm>> -> memref<10240x128xf32, #tpu.memory_space<hbm>>
    tpu.enqueue_indirect_dma source(%dma_start3A_31 : memref<10240x128xf32, #tpu.memory_space<hbm>>) target(%arg10 : memref<128x128xf32, #tpu.memory_space<vmem>>) offsets(%dma_start3A_28 : memref<128xi32, #tpu.memory_space<vmem>>) semaphore(%arg13 : memref<!tpu.dma_semaphore, #tpu.memory_space<semaphore_mem>>)
    %dma_start3A_32 = arith.constant 1 : i32
    %dma_start3A_33 = arith.constant 1 : i32
    %dma_start3A_34 = arith.constant 0 : i32
    %dma_start3A_35 = tpu.memref_slice %arg8[%dma_start3A_33, %dma_start3A_34] : memref<2x128xi32, #tpu.memory_space<vmem>> -> memref<1x128xi32, #tpu.memory_space<vmem>>
    %dma_start3A_36 = tpu.memref_squeeze %dma_start3A_35 : memref<1x128xi32, #tpu.memory_space<vmem>> -> memref<128xi32, #tpu.memory_space<vmem>>
    %dma_start3A_37 = arith.constant 0 : i32
    %dma_start3A_38 = tpu.memref_slice %arg4[%add3A, %dma_start3A_32, %dma_start3A_37] : memref<32x80x128xi32, #tpu.memory_space<hbm>> -> memref<1x1x128xi32, #tpu.memory_space<hbm>>
    %dma_start3A_39 = tpu.memref_squeeze %dma_start3A_38 : memref<1x1x128xi32, #tpu.memory_space<hbm>> -> memref<128xi32, #tpu.memory_space<hbm>>
    %dma_start3A_40 = arith.constant 0 : i32
    %dma_start3A_41 = tpu.memref_slice %arg8[%dma_start3A_33, %dma_start3A_40] : memref<2x128xi32, #tpu.memory_space<vmem>> -> memref<1x128xi32, #tpu.memory_space<vmem>>
    %dma_start3A_42 = tpu.memref_squeeze %dma_start3A_41 : memref<1x128xi32, #tpu.memory_space<vmem>> -> memref<128xi32, #tpu.memory_space<vmem>>
    %dma_start3A_43 = arith.constant 0 : i32
    %dma_start3A_44 = tpu.memref_slice %arg4[%add3A, %dma_start3A_32, %dma_start3A_43] : memref<32x80x128xi32, #tpu.memory_space<hbm>> -> memref<1x1x128xi32, #tpu.memory_space<hbm>>
    %dma_start3A_45 = tpu.memref_squeeze %dma_start3A_44 : memref<1x1x128xi32, #tpu.memory_space<hbm>> -> memref<128xi32, #tpu.memory_space<hbm>>
    tpu.enqueue_dma source(%dma_start3A_45 : memref<128xi32, #tpu.memory_space<hbm>>) target(%dma_start3A_42 : memref<128xi32, #tpu.memory_space<vmem>>) target_semaphore(%arg15 : memref<!tpu.dma_semaphore, #tpu.memory_space<semaphore_mem>>)
    %scan3A_46 = arith.constant 0 : i32
    %scan3A_47 = arith.constant 39 : i32
    %scan3A_48 = arith.addi %scan3A_46, %scan3A_47 : i32
    %scan3A_49 = arith.constant 1 : i32
    scf.for %scan3A_99 = %scan3A_46 to %scan3A_48 step %scan3A_49  : i32 {
      %mul3A_100 = arith.constant 1 : i32
      %mul3A_101 = arith.muli %scan3A_99, %mul3A_100 : i32
      %add3A_102 = arith.constant 0 : i32
      %add3A_103 = arith.addi %add3A_102, %mul3A_101 : i32
      %mul3A_104 = arith.constant 2 : i32
      %mul3A_105 = arith.muli %add3A_103, %mul3A_104 : i32
      %dma_wait3A_106 = arith.constant 0 : i32
      %dma_wait3A_107 = tpu.memref_slice %arg7[%mul3A_105, %dma_wait3A_106] : memref<80x128xi32, #tpu.memory_space<vmem>> -> memref<1x128xi32, #tpu.memory_space<vmem>>
      %dma_wait3A_108 = tpu.memref_squeeze %dma_wait3A_107 : memref<1x128xi32, #tpu.memory_space<vmem>> -> memref<128xi32, #tpu.memory_space<vmem>>
      %dma_wait3A_109 = arith.constant 0 : i32
      %dma_wait3A_110 = arith.constant 0 : i32
      %dma_wait3A_111 = tpu.memref_slice %arg2[%dma_wait3A_109, %dma_wait3A_110] : memref<10240x128xf32, #tpu.memory_space<hbm>> -> memref<10240x128xf32, #tpu.memory_space<hbm>>
      tpu.wait_indirect_dma semaphore(%arg12 : memref<!tpu.dma_semaphore, #tpu.memory_space<semaphore_mem>>) src(%dma_wait3A_111 : memref<10240x128xf32, #tpu.memory_space<hbm>>) dst(%arg9 : memref<128x128xf32, #tpu.memory_space<vmem>>)
      %dma_wait3A_112 = arith.constant 0 : i32
      %dma_wait3A_113 = arith.constant 0 : i32
      %dma_wait3A_114 = tpu.memref_slice %arg8[%dma_wait3A_112, %dma_wait3A_113] : memref<2x128xi32, #tpu.memory_space<vmem>> -> memref<1x128xi32, #tpu.memory_space<vmem>>
      %dma_wait3A_115 = tpu.memref_squeeze %dma_wait3A_114 : memref<1x128xi32, #tpu.memory_space<vmem>> -> memref<128xi32, #tpu.memory_space<vmem>>
      %dma_wait3A_116 = arith.constant 0 : i32
      %dma_wait3A_117 = tpu.memref_slice %arg4[%add3A, %mul3A_105, %dma_wait3A_116] : memref<32x80x128xi32, #tpu.memory_space<hbm>> -> memref<1x1x128xi32, #tpu.memory_space<hbm>>
      %dma_wait3A_118 = tpu.memref_squeeze %dma_wait3A_117 : memref<1x1x128xi32, #tpu.memory_space<hbm>> -> memref<128xi32, #tpu.memory_space<hbm>>
      %dma_wait3A_119 = arith.constant 0 : i32
      %dma_wait3A_120 = tpu.memref_slice %arg8[%dma_wait3A_112, %dma_wait3A_119] : memref<2x128xi32, #tpu.memory_space<vmem>> -> memref<1x128xi32, #tpu.memory_space<vmem>>
      %dma_wait3A_121 = tpu.memref_squeeze %dma_wait3A_120 : memref<1x128xi32, #tpu.memory_space<vmem>> -> memref<128xi32, #tpu.memory_space<vmem>>
      %dma_wait3A_122 = arith.constant 0 : i32
      %dma_wait3A_123 = tpu.memref_slice %arg4[%add3A, %mul3A_105, %dma_wait3A_122] : memref<32x80x128xi32, #tpu.memory_space<hbm>> -> memref<1x1x128xi32, #tpu.memory_space<hbm>>
      %dma_wait3A_124 = tpu.memref_squeeze %dma_wait3A_123 : memref<1x1x128xi32, #tpu.memory_space<hbm>> -> memref<128xi32, #tpu.memory_space<hbm>>
      tpu.wait_dma2 semaphore(%arg14 : memref<!tpu.dma_semaphore, #tpu.memory_space<semaphore_mem>>) src(%dma_wait3A_124 : memref<128xi32, #tpu.memory_space<hbm>>) dst(%dma_wait3A_121 : memref<128xi32, #tpu.memory_space<vmem>>)
      %run_scoped3A_125 = arith.constant 0 : i32
      "tpu.region"() ({
        %run_scoped3A_196 = tpu.sem_alloc : memref<!tpu.dma_semaphore, #tpu.memory_space<semaphore_mem>>
        %dma_start3A_197 = arith.constant 0 : i32
        %dma_start3A_198 = tpu.memref_slice %arg8[%run_scoped3A_125, %dma_start3A_197] : memref<2x128xi32, #tpu.memory_space<vmem>> -> memref<1x128xi32, #tpu.memory_space<vmem>>
        %dma_start3A_199 = tpu.memref_squeeze %dma_start3A_198 : memref<1x128xi32, #tpu.memory_space<vmem>> -> memref<128xi32, #tpu.memory_space<vmem>>
        %dma_start3A_200 = arith.constant 0 : i32
        %dma_start3A_201 = arith.constant 0 : i32
        %dma_start3A_202 = tpu.memref_slice %arg11[%dma_start3A_200, %dma_start3A_201] : memref<10240x128xf32, #tpu.memory_space<vmem_shared>> -> memref<10240x128xf32, #tpu.memory_space<vmem_shared>>
        tpu.enqueue_indirect_dma source(%arg9 : memref<128x128xf32, #tpu.memory_space<vmem>>) target(%dma_start3A_202 : memref<10240x128xf32, #tpu.memory_space<vmem_shared>>) offsets(%dma_start3A_199 : memref<128xi32, #tpu.memory_space<vmem>>) semaphore(%run_scoped3A_196 : memref<!tpu.dma_semaphore, #tpu.memory_space<semaphore_mem>>) {add = true}
        %dma_wait3A_203 = arith.constant 0 : i32
        %dma_wait3A_204 = tpu.memref_slice %arg8[%run_scoped3A_125, %dma_wait3A_203] : memref<2x128xi32, #tpu.memory_space<vmem>> -> memref<1x128xi32, #tpu.memory_space<vmem>>
        %dma_wait3A_205 = tpu.memref_squeeze %dma_wait3A_204 : memref<1x128xi32, #tpu.memory_space<vmem>> -> memref<128xi32, #tpu.memory_space<vmem>>
        %dma_wait3A_206 = arith.constant 0 : i32
        %dma_wait3A_207 = arith.constant 0 : i32
        %dma_wait3A_208 = tpu.memref_slice %arg11[%dma_wait3A_206, %dma_wait3A_207] : memref<10240x128xf32, #tpu.memory_space<vmem_shared>> -> memref<10240x128xf32, #tpu.memory_space<vmem_shared>>
        tpu.wait_indirect_dma semaphore(%run_scoped3A_196 : memref<!tpu.dma_semaphore, #tpu.memory_space<semaphore_mem>>) src(%arg9 : memref<128x128xf32, #tpu.memory_space<vmem>>) dst(%dma_wait3A_208 : memref<10240x128xf32, #tpu.memory_space<vmem_shared>>)
        tpu.yield
      }) : () -> ()
      %add3A_126 = arith.constant 2 : i32
      %add3A_127 = arith.addi %mul3A_105, %add3A_126 : i32
      %dma_start3A_128 = arith.constant 0 : i32
      %dma_start3A_129 = tpu.memref_slice %arg7[%add3A_127, %dma_start3A_128] : memref<80x128xi32, #tpu.memory_space<vmem>> -> memref<1x128xi32, #tpu.memory_space<vmem>>
      %dma_start3A_130 = tpu.memref_squeeze %dma_start3A_129 : memref<1x128xi32, #tpu.memory_space<vmem>> -> memref<128xi32, #tpu.memory_space<vmem>>
      %dma_start3A_131 = arith.constant 0 : i32
      %dma_start3A_132 = arith.constant 0 : i32
      %dma_start3A_133 = tpu.memref_slice %arg2[%dma_start3A_131, %dma_start3A_132] : memref<10240x128xf32, #tpu.memory_space<hbm>> -> memref<10240x128xf32, #tpu.memory_space<hbm>>
      tpu.enqueue_indirect_dma source(%dma_start3A_133 : memref<10240x128xf32, #tpu.memory_space<hbm>>) target(%arg9 : memref<128x128xf32, #tpu.memory_space<vmem>>) offsets(%dma_start3A_130 : memref<128xi32, #tpu.memory_space<vmem>>) semaphore(%arg12 : memref<!tpu.dma_semaphore, #tpu.memory_space<semaphore_mem>>)
      %add3A_134 = arith.constant 2 : i32
      %add3A_135 = arith.addi %mul3A_105, %add3A_134 : i32
      %dma_start3A_136 = arith.constant 0 : i32
      %dma_start3A_137 = arith.constant 0 : i32
      %dma_start3A_138 = tpu.memref_slice %arg8[%dma_start3A_136, %dma_start3A_137] : memref<2x128xi32, #tpu.memory_space<vmem>> -> memref<1x128xi32, #tpu.memory_space<vmem>>
      %dma_start3A_139 = tpu.memref_squeeze %dma_start3A_138 : memref<1x128xi32, #tpu.memory_space<vmem>> -> memref<128xi32, #tpu.memory_space<vmem>>
      %dma_start3A_140 = arith.constant 0 : i32
      %dma_start3A_141 = tpu.memref_slice %arg4[%add3A, %add3A_135, %dma_start3A_140] : memref<32x80x128xi32, #tpu.memory_space<hbm>> -> memref<1x1x128xi32, #tpu.memory_space<hbm>>
      %dma_start3A_142 = tpu.memref_squeeze %dma_start3A_141 : memref<1x1x128xi32, #tpu.memory_space<hbm>> -> memref<128xi32, #tpu.memory_space<hbm>>
      %dma_start3A_143 = arith.constant 0 : i32
      %dma_start3A_144 = tpu.memref_slice %arg8[%dma_start3A_136, %dma_start3A_143] : memref<2x128xi32, #tpu.memory_space<vmem>> -> memref<1x128xi32, #tpu.memory_space<vmem>>
      %dma_start3A_145 = tpu.memref_squeeze %dma_start3A_144 : memref<1x128xi32, #tpu.memory_space<vmem>> -> memref<128xi32, #tpu.memory_space<vmem>>
      %dma_start3A_146 = arith.constant 0 : i32
      %dma_start3A_147 = tpu.memref_slice %arg4[%add3A, %add3A_135, %dma_start3A_146] : memref<32x80x128xi32, #tpu.memory_space<hbm>> -> memref<1x1x128xi32, #tpu.memory_space<hbm>>
      %dma_start3A_148 = tpu.memref_squeeze %dma_start3A_147 : memref<1x1x128xi32, #tpu.memory_space<hbm>> -> memref<128xi32, #tpu.memory_space<hbm>>
      tpu.enqueue_dma source(%dma_start3A_148 : memref<128xi32, #tpu.memory_space<hbm>>) target(%dma_start3A_145 : memref<128xi32, #tpu.memory_space<vmem>>) target_semaphore(%arg14 : memref<!tpu.dma_semaphore, #tpu.memory_space<semaphore_mem>>)
      %add3A_149 = arith.constant 1 : i32
      %add3A_150 = arith.addi %mul3A_105, %add3A_149 : i32
      %dma_wait3A_151 = arith.constant 0 : i32
      %dma_wait3A_152 = tpu.memref_slice %arg7[%add3A_150, %dma_wait3A_151] : memref<80x128xi32, #tpu.memory_space<vmem>> -> memref<1x128xi32, #tpu.memory_space<vmem>>
      %dma_wait3A_153 = tpu.memref_squeeze %dma_wait3A_152 : memref<1x128xi32, #tpu.memory_space<vmem>> -> memref<128xi32, #tpu.memory_space<vmem>>
      %dma_wait3A_154 = arith.constant 0 : i32
      %dma_wait3A_155 = arith.constant 0 : i32
      %dma_wait3A_156 = tpu.memref_slice %arg2[%dma_wait3A_154, %dma_wait3A_155] : memref<10240x128xf32, #tpu.memory_space<hbm>> -> memref<10240x128xf32, #tpu.memory_space<hbm>>
      tpu.wait_indirect_dma semaphore(%arg13 : memref<!tpu.dma_semaphore, #tpu.memory_space<semaphore_mem>>) src(%dma_wait3A_156 : memref<10240x128xf32, #tpu.memory_space<hbm>>) dst(%arg10 : memref<128x128xf32, #tpu.memory_space<vmem>>)
      %add3A_157 = arith.constant 1 : i32
      %add3A_158 = arith.addi %mul3A_105, %add3A_157 : i32
      %dma_wait3A_159 = arith.constant 1 : i32
      %dma_wait3A_160 = arith.constant 0 : i32
      %dma_wait3A_161 = tpu.memref_slice %arg8[%dma_wait3A_159, %dma_wait3A_160] : memref<2x128xi32, #tpu.memory_space<vmem>> -> memref<1x128xi32, #tpu.memory_space<vmem>>
      %dma_wait3A_162 = tpu.memref_squeeze %dma_wait3A_161 : memref<1x128xi32, #tpu.memory_space<vmem>> -> memref<128xi32, #tpu.memory_space<vmem>>
      %dma_wait3A_163 = arith.constant 0 : i32
      %dma_wait3A_164 = tpu.memref_slice %arg4[%add3A, %add3A_158, %dma_wait3A_163] : memref<32x80x128xi32, #tpu.memory_space<hbm>> -> memref<1x1x128xi32, #tpu.memory_space<hbm>>
      %dma_wait3A_165 = tpu.memref_squeeze %dma_wait3A_164 : memref<1x1x128xi32, #tpu.memory_space<hbm>> -> memref<128xi32, #tpu.memory_space<hbm>>
      %dma_wait3A_166 = arith.constant 0 : i32
      %dma_wait3A_167 = tpu.memref_slice %arg8[%dma_wait3A_159, %dma_wait3A_166] : memref<2x128xi32, #tpu.memory_space<vmem>> -> memref<1x128xi32, #tpu.memory_space<vmem>>
      %dma_wait3A_168 = tpu.memref_squeeze %dma_wait3A_167 : memref<1x128xi32, #tpu.memory_space<vmem>> -> memref<128xi32, #tpu.memory_space<vmem>>
      %dma_wait3A_169 = arith.constant 0 : i32
      %dma_wait3A_170 = tpu.memref_slice %arg4[%add3A, %add3A_158, %dma_wait3A_169] : memref<32x80x128xi32, #tpu.memory_space<hbm>> -> memref<1x1x128xi32, #tpu.memory_space<hbm>>
      %dma_wait3A_171 = tpu.memref_squeeze %dma_wait3A_170 : memref<1x1x128xi32, #tpu.memory_space<hbm>> -> memref<128xi32, #tpu.memory_space<hbm>>
      tpu.wait_dma2 semaphore(%arg15 : memref<!tpu.dma_semaphore, #tpu.memory_space<semaphore_mem>>) src(%dma_wait3A_171 : memref<128xi32, #tpu.memory_space<hbm>>) dst(%dma_wait3A_168 : memref<128xi32, #tpu.memory_space<vmem>>)
      %run_scoped3A_172 = arith.constant 1 : i32
      "tpu.region"() ({
        %run_scoped3A_196 = tpu.sem_alloc : memref<!tpu.dma_semaphore, #tpu.memory_space<semaphore_mem>>
        %dma_start3A_197 = arith.constant 0 : i32
        %dma_start3A_198 = tpu.memref_slice %arg8[%run_scoped3A_172, %dma_start3A_197] : memref<2x128xi32, #tpu.memory_space<vmem>> -> memref<1x128xi32, #tpu.memory_space<vmem>>
        %dma_start3A_199 = tpu.memref_squeeze %dma_start3A_198 : memref<1x128xi32, #tpu.memory_space<vmem>> -> memref<128xi32, #tpu.memory_space<vmem>>
        %dma_start3A_200 = arith.constant 0 : i32
        %dma_start3A_201 = arith.constant 0 : i32
        %dma_start3A_202 = tpu.memref_slice %arg11[%dma_start3A_200, %dma_start3A_201] : memref<10240x128xf32, #tpu.memory_space<vmem_shared>> -> memref<10240x128xf32, #tpu.memory_space<vmem_shared>>
        tpu.enqueue_indirect_dma source(%arg10 : memref<128x128xf32, #tpu.memory_space<vmem>>) target(%dma_start3A_202 : memref<10240x128xf32, #tpu.memory_space<vmem_shared>>) offsets(%dma_start3A_199 : memref<128xi32, #tpu.memory_space<vmem>>) semaphore(%run_scoped3A_196 : memref<!tpu.dma_semaphore, #tpu.memory_space<semaphore_mem>>) {add = true}
        %dma_wait3A_203 = arith.constant 0 : i32
        %dma_wait3A_204 = tpu.memref_slice %arg8[%run_scoped3A_172, %dma_wait3A_203] : memref<2x128xi32, #tpu.memory_space<vmem>> -> memref<1x128xi32, #tpu.memory_space<vmem>>
        %dma_wait3A_205 = tpu.memref_squeeze %dma_wait3A_204 : memref<1x128xi32, #tpu.memory_space<vmem>> -> memref<128xi32, #tpu.memory_space<vmem>>
        %dma_wait3A_206 = arith.constant 0 : i32
        %dma_wait3A_207 = arith.constant 0 : i32
        %dma_wait3A_208 = tpu.memref_slice %arg11[%dma_wait3A_206, %dma_wait3A_207] : memref<10240x128xf32, #tpu.memory_space<vmem_shared>> -> memref<10240x128xf32, #tpu.memory_space<vmem_shared>>
        tpu.wait_indirect_dma semaphore(%run_scoped3A_196 : memref<!tpu.dma_semaphore, #tpu.memory_space<semaphore_mem>>) src(%arg10 : memref<128x128xf32, #tpu.memory_space<vmem>>) dst(%dma_wait3A_208 : memref<10240x128xf32, #tpu.memory_space<vmem_shared>>)
        tpu.yield
      }) : () -> ()
      %add3A_173 = arith.constant 3 : i32
      %add3A_174 = arith.addi %mul3A_105, %add3A_173 : i32
      %dma_start3A_175 = arith.constant 0 : i32
      %dma_start3A_176 = tpu.memref_slice %arg7[%add3A_174, %dma_start3A_175] : memref<80x128xi32, #tpu.memory_space<vmem>> -> memref<1x128xi32, #tpu.memory_space<vmem>>
      %dma_start3A_177 = tpu.memref_squeeze %dma_start3A_176 : memref<1x128xi32, #tpu.memory_space<vmem>> -> memref<128xi32, #tpu.memory_space<vmem>>
      %dma_start3A_178 = arith.constant 0 : i32
      %dma_start3A_179 = arith.constant 0 : i32
      %dma_start3A_180 = tpu.memref_slice %arg2[%dma_start3A_178, %dma_start3A_179] : memref<10240x128xf32, #tpu.memory_space<hbm>> -> memref<10240x128xf32, #tpu.memory_space<hbm>>
      tpu.enqueue_indirect_dma source(%dma_start3A_180 : memref<10240x128xf32, #tpu.memory_space<hbm>>) target(%arg10 : memref<128x128xf32, #tpu.memory_space<vmem>>) offsets(%dma_start3A_177 : memref<128xi32, #tpu.memory_space<vmem>>) semaphore(%arg13 : memref<!tpu.dma_semaphore, #tpu.memory_space<semaphore_mem>>)
      %add3A_181 = arith.constant 3 : i32
      %add3A_182 = arith.addi %mul3A_105, %add3A_181 : i32
      %dma_start3A_183 = arith.constant 1 : i32
      %dma_start3A_184 = arith.constant 0 : i32
      %dma_start3A_185 = tpu.memref_slice %arg8[%dma_start3A_183, %dma_start3A_184] : memref<2x128xi32, #tpu.memory_space<vmem>> -> memref<1x128xi32, #tpu.memory_space<vmem>>
      %dma_start3A_186 = tpu.memref_squeeze %dma_start3A_185 : memref<1x128xi32, #tpu.memory_space<vmem>> -> memref<128xi32, #tpu.memory_space<vmem>>
      %dma_start3A_187 = arith.constant 0 : i32
      %dma_start3A_188 = tpu.memref_slice %arg4[%add3A, %add3A_182, %dma_start3A_187] : memref<32x80x128xi32, #tpu.memory_space<hbm>> -> memref<1x1x128xi32, #tpu.memory_space<hbm>>
      %dma_start3A_189 = tpu.memref_squeeze %dma_start3A_188 : memref<1x1x128xi32, #tpu.memory_space<hbm>> -> memref<128xi32, #tpu.memory_space<hbm>>
      %dma_start3A_190 = arith.constant 0 : i32
      %dma_start3A_191 = tpu.memref_slice %arg8[%dma_start3A_183, %dma_start3A_190] : memref<2x128xi32, #tpu.memory_space<vmem>> -> memref<1x128xi32, #tpu.memory_space<vmem>>
      %dma_start3A_192 = tpu.memref_squeeze %dma_start3A_191 : memref<1x128xi32, #tpu.memory_space<vmem>> -> memref<128xi32, #tpu.memory_space<vmem>>
      %dma_start3A_193 = arith.constant 0 : i32
      %dma_start3A_194 = tpu.memref_slice %arg4[%add3A, %add3A_182, %dma_start3A_193] : memref<32x80x128xi32, #tpu.memory_space<hbm>> -> memref<1x1x128xi32, #tpu.memory_space<hbm>>
      %dma_start3A_195 = tpu.memref_squeeze %dma_start3A_194 : memref<1x1x128xi32, #tpu.memory_space<hbm>> -> memref<128xi32, #tpu.memory_space<hbm>>
      tpu.enqueue_dma source(%dma_start3A_195 : memref<128xi32, #tpu.memory_space<hbm>>) target(%dma_start3A_192 : memref<128xi32, #tpu.memory_space<vmem>>) target_semaphore(%arg15 : memref<!tpu.dma_semaphore, #tpu.memory_space<semaphore_mem>>)
    }
    %scan3A_50 = arith.constant 39 : i32
    %dma_wait3A = arith.constant 78 : i32
    %dma_wait3A_51 = arith.constant 0 : i32
    %dma_wait3A_52 = tpu.memref_slice %arg7[%dma_wait3A, %dma_wait3A_51] : memref<80x128xi32, #tpu.memory_space<vmem>> -> memref<1x128xi32, #tpu.memory_space<vmem>>
    %dma_wait3A_53 = tpu.memref_squeeze %dma_wait3A_52 : memref<1x128xi32, #tpu.memory_space<vmem>> -> memref<128xi32, #tpu.memory_space<vmem>>
    %dma_wait3A_54 = arith.constant 0 : i32
    %dma_wait3A_55 = arith.constant 0 : i32
    %dma_wait3A_56 = tpu.memref_slice %arg2[%dma_wait3A_54, %dma_wait3A_55] : memref<10240x128xf32, #tpu.memory_space<hbm>> -> memref<10240x128xf32, #tpu.memory_space<hbm>>
    tpu.wait_indirect_dma semaphore(%arg12 : memref<!tpu.dma_semaphore, #tpu.memory_space<semaphore_mem>>) src(%dma_wait3A_56 : memref<10240x128xf32, #tpu.memory_space<hbm>>) dst(%arg9 : memref<128x128xf32, #tpu.memory_space<vmem>>)
    %dma_wait3A_57 = arith.constant 78 : i32
    %dma_wait3A_58 = arith.constant 0 : i32
    %dma_wait3A_59 = arith.constant 0 : i32
    %dma_wait3A_60 = tpu.memref_slice %arg8[%dma_wait3A_58, %dma_wait3A_59] : memref<2x128xi32, #tpu.memory_space<vmem>> -> memref<1x128xi32, #tpu.memory_space<vmem>>
    %dma_wait3A_61 = tpu.memref_squeeze %dma_wait3A_60 : memref<1x128xi32, #tpu.memory_space<vmem>> -> memref<128xi32, #tpu.memory_space<vmem>>
    %dma_wait3A_62 = arith.constant 0 : i32
    %dma_wait3A_63 = tpu.memref_slice %arg4[%add3A, %dma_wait3A_57, %dma_wait3A_62] : memref<32x80x128xi32, #tpu.memory_space<hbm>> -> memref<1x1x128xi32, #tpu.memory_space<hbm>>
    %dma_wait3A_64 = tpu.memref_squeeze %dma_wait3A_63 : memref<1x1x128xi32, #tpu.memory_space<hbm>> -> memref<128xi32, #tpu.memory_space<hbm>>
    %dma_wait3A_65 = arith.constant 0 : i32
    %dma_wait3A_66 = tpu.memref_slice %arg8[%dma_wait3A_58, %dma_wait3A_65] : memref<2x128xi32, #tpu.memory_space<vmem>> -> memref<1x128xi32, #tpu.memory_space<vmem>>
    %dma_wait3A_67 = tpu.memref_squeeze %dma_wait3A_66 : memref<1x128xi32, #tpu.memory_space<vmem>> -> memref<128xi32, #tpu.memory_space<vmem>>
    %dma_wait3A_68 = arith.constant 0 : i32
    %dma_wait3A_69 = tpu.memref_slice %arg4[%add3A, %dma_wait3A_57, %dma_wait3A_68] : memref<32x80x128xi32, #tpu.memory_space<hbm>> -> memref<1x1x128xi32, #tpu.memory_space<hbm>>
    %dma_wait3A_70 = tpu.memref_squeeze %dma_wait3A_69 : memref<1x1x128xi32, #tpu.memory_space<hbm>> -> memref<128xi32, #tpu.memory_space<hbm>>
    tpu.wait_dma2 semaphore(%arg14 : memref<!tpu.dma_semaphore, #tpu.memory_space<semaphore_mem>>) src(%dma_wait3A_70 : memref<128xi32, #tpu.memory_space<hbm>>) dst(%dma_wait3A_67 : memref<128xi32, #tpu.memory_space<vmem>>)
    %run_scoped3A = arith.constant 0 : i32
    "tpu.region"() ({
      %run_scoped3A_99 = tpu.sem_alloc : memref<!tpu.dma_semaphore, #tpu.memory_space<semaphore_mem>>
      %dma_start3A_100 = arith.constant 0 : i32
      %dma_start3A_101 = tpu.memref_slice %arg8[%run_scoped3A, %dma_start3A_100] : memref<2x128xi32, #tpu.memory_space<vmem>> -> memref<1x128xi32, #tpu.memory_space<vmem>>
      %dma_start3A_102 = tpu.memref_squeeze %dma_start3A_101 : memref<1x128xi32, #tpu.memory_space<vmem>> -> memref<128xi32, #tpu.memory_space<vmem>>
      %dma_start3A_103 = arith.constant 0 : i32
      %dma_start3A_104 = arith.constant 0 : i32
      %dma_start3A_105 = tpu.memref_slice %arg11[%dma_start3A_103, %dma_start3A_104] : memref<10240x128xf32, #tpu.memory_space<vmem_shared>> -> memref<10240x128xf32, #tpu.memory_space<vmem_shared>>
      tpu.enqueue_indirect_dma source(%arg9 : memref<128x128xf32, #tpu.memory_space<vmem>>) target(%dma_start3A_105 : memref<10240x128xf32, #tpu.memory_space<vmem_shared>>) offsets(%dma_start3A_102 : memref<128xi32, #tpu.memory_space<vmem>>) semaphore(%run_scoped3A_99 : memref<!tpu.dma_semaphore, #tpu.memory_space<semaphore_mem>>) {add = true}
      %dma_wait3A_106 = arith.constant 0 : i32
      %dma_wait3A_107 = tpu.memref_slice %arg8[%run_scoped3A, %dma_wait3A_106] : memref<2x128xi32, #tpu.memory_space<vmem>> -> memref<1x128xi32, #tpu.memory_space<vmem>>
      %dma_wait3A_108 = tpu.memref_squeeze %dma_wait3A_107 : memref<1x128xi32, #tpu.memory_space<vmem>> -> memref<128xi32, #tpu.memory_space<vmem>>
      %dma_wait3A_109 = arith.constant 0 : i32
      %dma_wait3A_110 = arith.constant 0 : i32
      %dma_wait3A_111 = tpu.memref_slice %arg11[%dma_wait3A_109, %dma_wait3A_110] : memref<10240x128xf32, #tpu.memory_space<vmem_shared>> -> memref<10240x128xf32, #tpu.memory_space<vmem_shared>>
      tpu.wait_indirect_dma semaphore(%run_scoped3A_99 : memref<!tpu.dma_semaphore, #tpu.memory_space<semaphore_mem>>) src(%arg9 : memref<128x128xf32, #tpu.memory_space<vmem>>) dst(%dma_wait3A_111 : memref<10240x128xf32, #tpu.memory_space<vmem_shared>>)
      tpu.yield
    }) : () -> ()
    %dma_wait3A_71 = arith.constant 79 : i32
    %dma_wait3A_72 = arith.constant 0 : i32
    %dma_wait3A_73 = tpu.memref_slice %arg7[%dma_wait3A_71, %dma_wait3A_72] : memref<80x128xi32, #tpu.memory_space<vmem>> -> memref<1x128xi32, #tpu.memory_space<vmem>>
    %dma_wait3A_74 = tpu.memref_squeeze %dma_wait3A_73 : memref<1x128xi32, #tpu.memory_space<vmem>> -> memref<128xi32, #tpu.memory_space<vmem>>
    %dma_wait3A_75 = arith.constant 0 : i32
    %dma_wait3A_76 = arith.constant 0 : i32
    %dma_wait3A_77 = tpu.memref_slice %arg2[%dma_wait3A_75, %dma_wait3A_76] : memref<10240x128xf32, #tpu.memory_space<hbm>> -> memref<10240x128xf32, #tpu.memory_space<hbm>>
    tpu.wait_indirect_dma semaphore(%arg13 : memref<!tpu.dma_semaphore, #tpu.memory_space<semaphore_mem>>) src(%dma_wait3A_77 : memref<10240x128xf32, #tpu.memory_space<hbm>>) dst(%arg10 : memref<128x128xf32, #tpu.memory_space<vmem>>)
    %dma_wait3A_78 = arith.constant 79 : i32
    %dma_wait3A_79 = arith.constant 1 : i32
    %dma_wait3A_80 = arith.constant 0 : i32
    %dma_wait3A_81 = tpu.memref_slice %arg8[%dma_wait3A_79, %dma_wait3A_80] : memref<2x128xi32, #tpu.memory_space<vmem>> -> memref<1x128xi32, #tpu.memory_space<vmem>>
    %dma_wait3A_82 = tpu.memref_squeeze %dma_wait3A_81 : memref<1x128xi32, #tpu.memory_space<vmem>> -> memref<128xi32, #tpu.memory_space<vmem>>
    %dma_wait3A_83 = arith.constant 0 : i32
    %dma_wait3A_84 = tpu.memref_slice %arg4[%add3A, %dma_wait3A_78, %dma_wait3A_83] : memref<32x80x128xi32, #tpu.memory_space<hbm>> -> memref<1x1x128xi32, #tpu.memory_space<hbm>>
    %dma_wait3A_85 = tpu.memref_squeeze %dma_wait3A_84 : memref<1x1x128xi32, #tpu.memory_space<hbm>> -> memref<128xi32, #tpu.memory_space<hbm>>
    %dma_wait3A_86 = arith.constant 0 : i32
    %dma_wait3A_87 = tpu.memref_slice %arg8[%dma_wait3A_79, %dma_wait3A_86] : memref<2x128xi32, #tpu.memory_space<vmem>> -> memref<1x128xi32, #tpu.memory_space<vmem>>
    %dma_wait3A_88 = tpu.memref_squeeze %dma_wait3A_87 : memref<1x128xi32, #tpu.memory_space<vmem>> -> memref<128xi32, #tpu.memory_space<vmem>>
    %dma_wait3A_89 = arith.constant 0 : i32
    %dma_wait3A_90 = tpu.memref_slice %arg4[%add3A, %dma_wait3A_78, %dma_wait3A_89] : memref<32x80x128xi32, #tpu.memory_space<hbm>> -> memref<1x1x128xi32, #tpu.memory_space<hbm>>
    %dma_wait3A_91 = tpu.memref_squeeze %dma_wait3A_90 : memref<1x1x128xi32, #tpu.memory_space<hbm>> -> memref<128xi32, #tpu.memory_space<hbm>>
    tpu.wait_dma2 semaphore(%arg15 : memref<!tpu.dma_semaphore, #tpu.memory_space<semaphore_mem>>) src(%dma_wait3A_91 : memref<128xi32, #tpu.memory_space<hbm>>) dst(%dma_wait3A_88 : memref<128xi32, #tpu.memory_space<vmem>>)
    %run_scoped3A_92 = arith.constant 1 : i32
    "tpu.region"() ({
      %run_scoped3A_99 = tpu.sem_alloc : memref<!tpu.dma_semaphore, #tpu.memory_space<semaphore_mem>>
      %dma_start3A_100 = arith.constant 0 : i32
      %dma_start3A_101 = tpu.memref_slice %arg8[%run_scoped3A_92, %dma_start3A_100] : memref<2x128xi32, #tpu.memory_space<vmem>> -> memref<1x128xi32, #tpu.memory_space<vmem>>
      %dma_start3A_102 = tpu.memref_squeeze %dma_start3A_101 : memref<1x128xi32, #tpu.memory_space<vmem>> -> memref<128xi32, #tpu.memory_space<vmem>>
      %dma_start3A_103 = arith.constant 0 : i32
      %dma_start3A_104 = arith.constant 0 : i32
      %dma_start3A_105 = tpu.memref_slice %arg11[%dma_start3A_103, %dma_start3A_104] : memref<10240x128xf32, #tpu.memory_space<vmem_shared>> -> memref<10240x128xf32, #tpu.memory_space<vmem_shared>>
      tpu.enqueue_indirect_dma source(%arg10 : memref<128x128xf32, #tpu.memory_space<vmem>>) target(%dma_start3A_105 : memref<10240x128xf32, #tpu.memory_space<vmem_shared>>) offsets(%dma_start3A_102 : memref<128xi32, #tpu.memory_space<vmem>>) semaphore(%run_scoped3A_99 : memref<!tpu.dma_semaphore, #tpu.memory_space<semaphore_mem>>) {add = true}
      %dma_wait3A_106 = arith.constant 0 : i32
      %dma_wait3A_107 = tpu.memref_slice %arg8[%run_scoped3A_92, %dma_wait3A_106] : memref<2x128xi32, #tpu.memory_space<vmem>> -> memref<1x128xi32, #tpu.memory_space<vmem>>
      %dma_wait3A_108 = tpu.memref_squeeze %dma_wait3A_107 : memref<1x128xi32, #tpu.memory_space<vmem>> -> memref<128xi32, #tpu.memory_space<vmem>>
      %dma_wait3A_109 = arith.constant 0 : i32
      %dma_wait3A_110 = arith.constant 0 : i32
      %dma_wait3A_111 = tpu.memref_slice %arg11[%dma_wait3A_109, %dma_wait3A_110] : memref<10240x128xf32, #tpu.memory_space<vmem_shared>> -> memref<10240x128xf32, #tpu.memory_space<vmem_shared>>
      tpu.wait_indirect_dma semaphore(%run_scoped3A_99 : memref<!tpu.dma_semaphore, #tpu.memory_space<semaphore_mem>>) src(%arg10 : memref<128x128xf32, #tpu.memory_space<vmem>>) dst(%dma_wait3A_111 : memref<10240x128xf32, #tpu.memory_space<vmem_shared>>)
      tpu.yield
    }) : () -> ()
    %barrier3A_93 = arith.constant 0 : index
    tpu.barrier barrier_id(%barrier3A_93)
    %scan3A_94 = arith.constant 0 : i32
    %scan3A_95 = arith.constant 5 : i32
    %scan3A_96 = arith.addi %scan3A_94, %scan3A_95 : i32
    %scan3A_97 = arith.constant 1 : i32
    scf.for %scan3A_99 = %scan3A_94 to %scan3A_96 step %scan3A_97  : i32 {
      %mul3A_100 = arith.constant 1 : i32
      %mul3A_101 = arith.muli %scan3A_99, %mul3A_100 : i32
      %add3A_102 = arith.constant 0 : i32
      %add3A_103 = arith.addi %add3A_102, %mul3A_101 : i32
      %mul3A_104 = arith.constant 640 : i32
      %mul3A_105 = arith.muli %arg1, %mul3A_104 : i32
      %mul3A_106 = arith.constant 128 : i32
      %mul3A_107 = arith.muli %add3A_103, %mul3A_106 : i32
      %add3A_108 = arith.addi %mul3A_105, %mul3A_107 : i32
      "tpu.region"() ({
        %run_scoped3A_109 = tpu.sem_alloc : memref<!tpu.dma_semaphore, #tpu.memory_space<semaphore_mem>>
        %dma_start3A_110 = arith.constant 0 : i32
        %dma_start3A_111 = tpu.memref_slice %arg6[%arg0, %add3A_108, %dma_start3A_110] : memref<2x10240x128xf32, #tpu.memory_space<hbm>> -> memref<1x128x128xf32, #tpu.memory_space<hbm>>
        %dma_start3A_112 = tpu.memref_squeeze %dma_start3A_111 : memref<1x128x128xf32, #tpu.memory_space<hbm>> -> memref<128x128xf32, #tpu.memory_space<hbm>>
        %dma_start3A_113 = arith.constant 0 : i32
        %dma_start3A_114 = tpu.memref_slice %arg11[%add3A_108, %dma_start3A_113] : memref<10240x128xf32, #tpu.memory_space<vmem_shared>> -> memref<128x128xf32, #tpu.memory_space<vmem_shared>>
        tpu.enqueue_dma source(%dma_start3A_114 : memref<128x128xf32, #tpu.memory_space<vmem_shared>>) target(%dma_start3A_112 : memref<128x128xf32, #tpu.memory_space<hbm>>) target_semaphore(%run_scoped3A_109 : memref<!tpu.dma_semaphore, #tpu.memory_space<semaphore_mem>>)
        %dma_wait3A_115 = arith.constant 0 : i32
        %dma_wait3A_116 = tpu.memref_slice %arg6[%arg0, %add3A_108, %dma_wait3A_115] : memref<2x10240x128xf32, #tpu.memory_space<hbm>> -> memref<1x128x128xf32, #tpu.memory_space<hbm>>
        %dma_wait3A_117 = tpu.memref_squeeze %dma_wait3A_116 : memref<1x128x128xf32, #tpu.memory_space<hbm>> -> memref<128x128xf32, #tpu.memory_space<hbm>>
        %dma_wait3A_118 = arith.constant 0 : i32
        %dma_wait3A_119 = tpu.memref_slice %arg11[%add3A_108, %dma_wait3A_118] : memref<10240x128xf32, #tpu.memory_space<vmem_shared>> -> memref<128x128xf32, #tpu.memory_space<vmem_shared>>
        tpu.wait_dma2 semaphore(%run_scoped3A_109 : memref<!tpu.dma_semaphore, #tpu.memory_space<semaphore_mem>>) src(%dma_wait3A_119 : memref<128x128xf32, #tpu.memory_space<vmem_shared>>) dst(%dma_wait3A_117 : memref<128x128xf32, #tpu.memory_space<hbm>>)
        tpu.yield
      }) : () -> ()
    }
    %scan3A_98 = arith.constant 5 : i32
    return
  }
}

#map = affine_map<(d0, d1) -> (0, 0)>
#map1 = affine_map<(d0, d1) -> (0, 0, 0)>
module attributes {stable_mosaic.version = 14 : i64} {
  func.func @_agg_kernel(%arg0: i32, %arg1: i32, %arg2: memref<10240x128xf32, #tpu.memory_space<hbm>>, %arg3: memref<32x80x128xi32, #tpu.memory_space<hbm>>, %arg4: memref<32x80x128xi32, #tpu.memory_space<hbm>>, %arg5: memref<128x128xf32, #tpu.memory_space<hbm>>, %arg6: memref<2x10240x128xf32, #tpu.memory_space<hbm>>, %arg7: memref<80x128xi32, #tpu.memory_space<vmem>>, %arg8: memref<2x128xi32, #tpu.memory_space<vmem>>, %arg9: memref<128x128xf32, #tpu.memory_space<vmem>>, %arg10: memref<128x128xf32, #tpu.memory_space<vmem>>, %arg11: memref<10240x128xf32, #tpu.memory_space<vmem_shared>>, %arg12: memref<!tpu.dma_semaphore, #tpu.memory_space<semaphore_mem>>, %arg13: memref<!tpu.dma_semaphore, #tpu.memory_space<semaphore_mem>>, %arg14: memref<!tpu.dma_semaphore, #tpu.memory_space<semaphore_mem>>, %arg15: memref<!tpu.dma_semaphore, #tpu.memory_space<semaphore_mem>>) attributes {dimension_semantics = [#tpu.dimension_semantics<core_parallel>, #tpu.dimension_semantics<subcore_parallel>], iteration_bounds = array<i64: 2, 16>, scalar_prefetch = 0 : i64, scratch_operands = 9 : i64, tpu.core_type = #tpu.core_type<sc_vector_subcore>, window_params = [{transform_indices = #map}, {transform_indices = #map1}, {transform_indices = #map1}, {transform_indices = #map}, {transform_indices = #map1}]} {
    %mul3A = arith.constant 16 : i32
    %mul3A_0 = arith.muli %arg0, %mul3A : i32
    %add3A = arith.addi %mul3A_0, %arg1 : i32
    %scan3A = arith.constant 0 : i32
    %scan3A_1 = arith.constant 5 : i32
    %scan3A_2 = arith.addi %scan3A, %scan3A_1 : i32
    %scan3A_3 = arith.constant 1 : i32
    scf.for %scan3A_99 = %scan3A to %scan3A_2 step %scan3A_3  : i32 {
      %mul3A_100 = arith.constant 1 : i32
      %mul3A_101 = arith.muli %scan3A_99, %mul3A_100 : i32
      %add3A_102 = arith.constant 0 : i32
      %add3A_103 = arith.addi %add3A_102, %mul3A_101 : i32
      %mul3A_104 = arith.constant 640 : i32
      %mul3A_105 = arith.muli %arg1, %mul3A_104 : i32
      %mul3A_106 = arith.constant 128 : i32
      %mul3A_107 = arith.muli %add3A_103, %mul3A_106 : i32
      %add3A_108 = arith.addi %mul3A_105, %mul3A_107 : i32
      "tpu.region"() ({
        %run_scoped3A_109 = tpu.sem_alloc : memref<!tpu.dma_semaphore, #tpu.memory_space<semaphore_mem>>
        %dma_start3A_110 = arith.constant 0 : i32
        %dma_start3A_111 = tpu.memref_slice %arg11[%add3A_108, %dma_start3A_110] : memref<10240x128xf32, #tpu.memory_space<vmem_shared>> -> memref<128x128xf32, #tpu.memory_space<vmem_shared>>
        tpu.enqueue_dma source(%arg5 : memref<128x128xf32, #tpu.memory_space<hbm>>) target(%dma_start3A_111 : memref<128x128xf32, #tpu.memory_space<vmem_shared>>) target_semaphore(%run_scoped3A_109 : memref<!tpu.dma_semaphore, #tpu.memory_space<semaphore_mem>>)
        %dma_wait3A_112 = arith.constant 0 : i32
        %dma_wait3A_113 = tpu.memref_slice %arg11[%add3A_108, %dma_wait3A_112] : memref<10240x128xf32, #tpu.memory_space<vmem_shared>> -> memref<128x128xf32, #tpu.memory_space<vmem_shared>>
        tpu.wait_dma2 semaphore(%run_scoped3A_109 : memref<!tpu.dma_semaphore, #tpu.memory_space<semaphore_mem>>) src(%arg5 : memref<128x128xf32, #tpu.memory_space<hbm>>) dst(%dma_wait3A_113 : memref<128x128xf32, #tpu.memory_space<vmem_shared>>)
        tpu.yield
      }) : () -> ()
    }
    %scan3A_4 = arith.constant 5 : i32
    "tpu.region"() ({
      %run_scoped3A_99 = tpu.sem_alloc : memref<!tpu.dma_semaphore, #tpu.memory_space<semaphore_mem>>
      %dma_start3A_100 = arith.constant 0 : i32
      %dma_start3A_101 = arith.constant 0 : i32
      %dma_start3A_102 = tpu.memref_slice %arg3[%add3A, %dma_start3A_100, %dma_start3A_101] : memref<32x80x128xi32, #tpu.memory_space<hbm>> -> memref<1x80x128xi32, #tpu.memory_space<hbm>>
      %dma_start3A_103 = tpu.memref_squeeze %dma_start3A_102 : memref<1x80x128xi32, #tpu.memory_space<hbm>> -> memref<80x128xi32, #tpu.memory_space<hbm>>
      %dma_start3A_104 = arith.constant 0 : i32
      %dma_start3A_105 = arith.constant 0 : i32
      %dma_start3A_106 = tpu.memref_slice %arg3[%add3A, %dma_start3A_104, %dma_start3A_105] : memref<32x80x128xi32, #tpu.memory_space<hbm>> -> memref<1x80x128xi32, #tpu.memory_space<hbm>>
      %dma_start3A_107 = tpu.memref_squeeze %dma_start3A_106 : memref<1x80x128xi32, #tpu.memory_space<hbm>> -> memref<80x128xi32, #tpu.memory_space<hbm>>
      tpu.enqueue_dma source(%dma_start3A_107 : memref<80x128xi32, #tpu.memory_space<hbm>>) target(%arg7 : memref<80x128xi32, #tpu.memory_space<vmem>>) target_semaphore(%run_scoped3A_99 : memref<!tpu.dma_semaphore, #tpu.memory_space<semaphore_mem>>)
      %dma_wait3A_108 = arith.constant 0 : i32
      %dma_wait3A_109 = arith.constant 0 : i32
      %dma_wait3A_110 = tpu.memref_slice %arg3[%add3A, %dma_wait3A_108, %dma_wait3A_109] : memref<32x80x128xi32, #tpu.memory_space<hbm>> -> memref<1x80x128xi32, #tpu.memory_space<hbm>>
      %dma_wait3A_111 = tpu.memref_squeeze %dma_wait3A_110 : memref<1x80x128xi32, #tpu.memory_space<hbm>> -> memref<80x128xi32, #tpu.memory_space<hbm>>
      %dma_wait3A_112 = arith.constant 0 : i32
      %dma_wait3A_113 = arith.constant 0 : i32
      %dma_wait3A_114 = tpu.memref_slice %arg3[%add3A, %dma_wait3A_112, %dma_wait3A_113] : memref<32x80x128xi32, #tpu.memory_space<hbm>> -> memref<1x80x128xi32, #tpu.memory_space<hbm>>
      %dma_wait3A_115 = tpu.memref_squeeze %dma_wait3A_114 : memref<1x80x128xi32, #tpu.memory_space<hbm>> -> memref<80x128xi32, #tpu.memory_space<hbm>>
      tpu.wait_dma2 semaphore(%run_scoped3A_99 : memref<!tpu.dma_semaphore, #tpu.memory_space<semaphore_mem>>) src(%dma_wait3A_115 : memref<80x128xi32, #tpu.memory_space<hbm>>) dst(%arg7 : memref<80x128xi32, #tpu.memory_space<vmem>>)
      tpu.yield
    }) : () -> ()
    %barrier3A = arith.constant 0 : index
    tpu.barrier barrier_id(%barrier3A)
    %dma_start3A = arith.constant 0 : i32
    %dma_start3A_5 = arith.constant 0 : i32
    %dma_start3A_6 = tpu.memref_slice %arg7[%dma_start3A, %dma_start3A_5] : memref<80x128xi32, #tpu.memory_space<vmem>> -> memref<1x128xi32, #tpu.memory_space<vmem>>
    %dma_start3A_7 = tpu.memref_squeeze %dma_start3A_6 : memref<1x128xi32, #tpu.memory_space<vmem>> -> memref<128xi32, #tpu.memory_space<vmem>>
    %dma_start3A_8 = arith.constant 0 : i32
    %dma_start3A_9 = arith.constant 0 : i32
    %dma_start3A_10 = tpu.memref_slice %arg2[%dma_start3A_8, %dma_start3A_9] : memref<10240x128xf32, #tpu.memory_space<hbm>> -> memref<10240x128xf32, #tpu.memory_space<hbm>>
    tpu.enqueue_indirect_dma source(%dma_start3A_10 : memref<10240x128xf32, #tpu.memory_space<hbm>>) target(%arg9 : memref<128x128xf32, #tpu.memory_space<vmem>>) offsets(%dma_start3A_7 : memref<128xi32, #tpu.memory_space<vmem>>) semaphore(%arg12 : memref<!tpu.dma_semaphore, #tpu.memory_space<semaphore_mem>>)
    %dma_start3A_11 = arith.constant 0 : i32
    %dma_start3A_12 = arith.constant 0 : i32
    %dma_start3A_13 = arith.constant 0 : i32
    %dma_start3A_14 = tpu.memref_slice %arg8[%dma_start3A_12, %dma_start3A_13] : memref<2x128xi32, #tpu.memory_space<vmem>> -> memref<1x128xi32, #tpu.memory_space<vmem>>
    %dma_start3A_15 = tpu.memref_squeeze %dma_start3A_14 : memref<1x128xi32, #tpu.memory_space<vmem>> -> memref<128xi32, #tpu.memory_space<vmem>>
    %dma_start3A_16 = arith.constant 0 : i32
    %dma_start3A_17 = tpu.memref_slice %arg4[%add3A, %dma_start3A_11, %dma_start3A_16] : memref<32x80x128xi32, #tpu.memory_space<hbm>> -> memref<1x1x128xi32, #tpu.memory_space<hbm>>
    %dma_start3A_18 = tpu.memref_squeeze %dma_start3A_17 : memref<1x1x128xi32, #tpu.memory_space<hbm>> -> memref<128xi32, #tpu.memory_space<hbm>>
    %dma_start3A_19 = arith.constant 0 : i32
    %dma_start3A_20 = tpu.memref_slice %arg8[%dma_start3A_12, %dma_start3A_19] : memref<2x128xi32, #tpu.memory_space<vmem>> -> memref<1x128xi32, #tpu.memory_space<vmem>>
    %dma_start3A_21 = tpu.memref_squeeze %dma_start3A_20 : memref<1x128xi32, #tpu.memory_space<vmem>> -> memref<128xi32, #tpu.memory_space<vmem>>
    %dma_start3A_22 = arith.constant 0 : i32
    %dma_start3A_23 = tpu.memref_slice %arg4[%add3A, %dma_start3A_11, %dma_start3A_22] : memref<32x80x128xi32, #tpu.memory_space<hbm>> -> memref<1x1x128xi32, #tpu.memory_space<hbm>>
    %dma_start3A_24 = tpu.memref_squeeze %dma_start3A_23 : memref<1x1x128xi32, #tpu.memory_space<hbm>> -> memref<128xi32, #tpu.memory_space<hbm>>
    tpu.enqueue_dma source(%dma_start3A_24 : memref<128xi32, #tpu.memory_space<hbm>>) target(%dma_start3A_21 : memref<128xi32, #tpu.memory_space<vmem>>) target_semaphore(%arg14 : memref<!tpu.dma_semaphore, #tpu.memory_space<semaphore_mem>>)
    %dma_start3A_25 = arith.constant 1 : i32
    %dma_start3A_26 = arith.constant 0 : i32
    %dma_start3A_27 = tpu.memref_slice %arg7[%dma_start3A_25, %dma_start3A_26] : memref<80x128xi32, #tpu.memory_space<vmem>> -> memref<1x128xi32, #tpu.memory_space<vmem>>
    %dma_start3A_28 = tpu.memref_squeeze %dma_start3A_27 : memref<1x128xi32, #tpu.memory_space<vmem>> -> memref<128xi32, #tpu.memory_space<vmem>>
    %dma_start3A_29 = arith.constant 0 : i32
    %dma_start3A_30 = arith.constant 0 : i32
    %dma_start3A_31 = tpu.memref_slice %arg2[%dma_start3A_29, %dma_start3A_30] : memref<10240x128xf32, #tpu.memory_space<hbm>> -> memref<10240x128xf32, #tpu.memory_space<hbm>>
    tpu.enqueue_indirect_dma source(%dma_start3A_31 : memref<10240x128xf32, #tpu.memory_space<hbm>>) target(%arg10 : memref<128x128xf32, #tpu.memory_space<vmem>>) offsets(%dma_start3A_28 : memref<128xi32, #tpu.memory_space<vmem>>) semaphore(%arg13 : memref<!tpu.dma_semaphore, #tpu.memory_space<semaphore_mem>>)
    %dma_start3A_32 = arith.constant 1 : i32
    %dma_start3A_33 = arith.constant 1 : i32
    %dma_start3A_34 = arith.constant 0 : i32
    %dma_start3A_35 = tpu.memref_slice %arg8[%dma_start3A_33, %dma_start3A_34] : memref<2x128xi32, #tpu.memory_space<vmem>> -> memref<1x128xi32, #tpu.memory_space<vmem>>
    %dma_start3A_36 = tpu.memref_squeeze %dma_start3A_35 : memref<1x128xi32, #tpu.memory_space<vmem>> -> memref<128xi32, #tpu.memory_space<vmem>>
    %dma_start3A_37 = arith.constant 0 : i32
    %dma_start3A_38 = tpu.memref_slice %arg4[%add3A, %dma_start3A_32, %dma_start3A_37] : memref<32x80x128xi32, #tpu.memory_space<hbm>> -> memref<1x1x128xi32, #tpu.memory_space<hbm>>
    %dma_start3A_39 = tpu.memref_squeeze %dma_start3A_38 : memref<1x1x128xi32, #tpu.memory_space<hbm>> -> memref<128xi32, #tpu.memory_space<hbm>>
    %dma_start3A_40 = arith.constant 0 : i32
    %dma_start3A_41 = tpu.memref_slice %arg8[%dma_start3A_33, %dma_start3A_40] : memref<2x128xi32, #tpu.memory_space<vmem>> -> memref<1x128xi32, #tpu.memory_space<vmem>>
    %dma_start3A_42 = tpu.memref_squeeze %dma_start3A_41 : memref<1x128xi32, #tpu.memory_space<vmem>> -> memref<128xi32, #tpu.memory_space<vmem>>
    %dma_start3A_43 = arith.constant 0 : i32
    %dma_start3A_44 = tpu.memref_slice %arg4[%add3A, %dma_start3A_32, %dma_start3A_43] : memref<32x80x128xi32, #tpu.memory_space<hbm>> -> memref<1x1x128xi32, #tpu.memory_space<hbm>>
    %dma_start3A_45 = tpu.memref_squeeze %dma_start3A_44 : memref<1x1x128xi32, #tpu.memory_space<hbm>> -> memref<128xi32, #tpu.memory_space<hbm>>
    tpu.enqueue_dma source(%dma_start3A_45 : memref<128xi32, #tpu.memory_space<hbm>>) target(%dma_start3A_42 : memref<128xi32, #tpu.memory_space<vmem>>) target_semaphore(%arg15 : memref<!tpu.dma_semaphore, #tpu.memory_space<semaphore_mem>>)
    %scan3A_46 = arith.constant 0 : i32
    %scan3A_47 = arith.constant 39 : i32
    %scan3A_48 = arith.addi %scan3A_46, %scan3A_47 : i32
    %scan3A_49 = arith.constant 1 : i32
    scf.for %scan3A_99 = %scan3A_46 to %scan3A_48 step %scan3A_49  : i32 {
      %mul3A_100 = arith.constant 1 : i32
      %mul3A_101 = arith.muli %scan3A_99, %mul3A_100 : i32
      %add3A_102 = arith.constant 0 : i32
      %add3A_103 = arith.addi %add3A_102, %mul3A_101 : i32
      %mul3A_104 = arith.constant 2 : i32
      %mul3A_105 = arith.muli %add3A_103, %mul3A_104 : i32
      %dma_wait3A_106 = arith.constant 0 : i32
      %dma_wait3A_107 = tpu.memref_slice %arg7[%mul3A_105, %dma_wait3A_106] : memref<80x128xi32, #tpu.memory_space<vmem>> -> memref<1x128xi32, #tpu.memory_space<vmem>>
      %dma_wait3A_108 = tpu.memref_squeeze %dma_wait3A_107 : memref<1x128xi32, #tpu.memory_space<vmem>> -> memref<128xi32, #tpu.memory_space<vmem>>
      %dma_wait3A_109 = arith.constant 0 : i32
      %dma_wait3A_110 = arith.constant 0 : i32
      %dma_wait3A_111 = tpu.memref_slice %arg2[%dma_wait3A_109, %dma_wait3A_110] : memref<10240x128xf32, #tpu.memory_space<hbm>> -> memref<10240x128xf32, #tpu.memory_space<hbm>>
      tpu.wait_indirect_dma semaphore(%arg12 : memref<!tpu.dma_semaphore, #tpu.memory_space<semaphore_mem>>) src(%dma_wait3A_111 : memref<10240x128xf32, #tpu.memory_space<hbm>>) dst(%arg9 : memref<128x128xf32, #tpu.memory_space<vmem>>)
      %dma_wait3A_112 = arith.constant 0 : i32
      %dma_wait3A_113 = arith.constant 0 : i32
      %dma_wait3A_114 = tpu.memref_slice %arg8[%dma_wait3A_112, %dma_wait3A_113] : memref<2x128xi32, #tpu.memory_space<vmem>> -> memref<1x128xi32, #tpu.memory_space<vmem>>
      %dma_wait3A_115 = tpu.memref_squeeze %dma_wait3A_114 : memref<1x128xi32, #tpu.memory_space<vmem>> -> memref<128xi32, #tpu.memory_space<vmem>>
      %dma_wait3A_116 = arith.constant 0 : i32
      %dma_wait3A_117 = tpu.memref_slice %arg4[%add3A, %mul3A_105, %dma_wait3A_116] : memref<32x80x128xi32, #tpu.memory_space<hbm>> -> memref<1x1x128xi32, #tpu.memory_space<hbm>>
      %dma_wait3A_118 = tpu.memref_squeeze %dma_wait3A_117 : memref<1x1x128xi32, #tpu.memory_space<hbm>> -> memref<128xi32, #tpu.memory_space<hbm>>
      %dma_wait3A_119 = arith.constant 0 : i32
      %dma_wait3A_120 = tpu.memref_slice %arg8[%dma_wait3A_112, %dma_wait3A_119] : memref<2x128xi32, #tpu.memory_space<vmem>> -> memref<1x128xi32, #tpu.memory_space<vmem>>
      %dma_wait3A_121 = tpu.memref_squeeze %dma_wait3A_120 : memref<1x128xi32, #tpu.memory_space<vmem>> -> memref<128xi32, #tpu.memory_space<vmem>>
      %dma_wait3A_122 = arith.constant 0 : i32
      %dma_wait3A_123 = tpu.memref_slice %arg4[%add3A, %mul3A_105, %dma_wait3A_122] : memref<32x80x128xi32, #tpu.memory_space<hbm>> -> memref<1x1x128xi32, #tpu.memory_space<hbm>>
      %dma_wait3A_124 = tpu.memref_squeeze %dma_wait3A_123 : memref<1x1x128xi32, #tpu.memory_space<hbm>> -> memref<128xi32, #tpu.memory_space<hbm>>
      tpu.wait_dma2 semaphore(%arg14 : memref<!tpu.dma_semaphore, #tpu.memory_space<semaphore_mem>>) src(%dma_wait3A_124 : memref<128xi32, #tpu.memory_space<hbm>>) dst(%dma_wait3A_121 : memref<128xi32, #tpu.memory_space<vmem>>)
      %run_scoped3A_125 = arith.constant 0 : i32
      "tpu.region"() ({
        %run_scoped3A_196 = tpu.sem_alloc : memref<!tpu.dma_semaphore, #tpu.memory_space<semaphore_mem>>
        %dma_start3A_197 = arith.constant 0 : i32
        %dma_start3A_198 = tpu.memref_slice %arg8[%run_scoped3A_125, %dma_start3A_197] : memref<2x128xi32, #tpu.memory_space<vmem>> -> memref<1x128xi32, #tpu.memory_space<vmem>>
        %dma_start3A_199 = tpu.memref_squeeze %dma_start3A_198 : memref<1x128xi32, #tpu.memory_space<vmem>> -> memref<128xi32, #tpu.memory_space<vmem>>
        %dma_start3A_200 = arith.constant 0 : i32
        %dma_start3A_201 = arith.constant 0 : i32
        %dma_start3A_202 = tpu.memref_slice %arg11[%dma_start3A_200, %dma_start3A_201] : memref<10240x128xf32, #tpu.memory_space<vmem_shared>> -> memref<10240x128xf32, #tpu.memory_space<vmem_shared>>
        tpu.enqueue_indirect_dma source(%arg9 : memref<128x128xf32, #tpu.memory_space<vmem>>) target(%dma_start3A_202 : memref<10240x128xf32, #tpu.memory_space<vmem_shared>>) offsets(%dma_start3A_199 : memref<128xi32, #tpu.memory_space<vmem>>) semaphore(%run_scoped3A_196 : memref<!tpu.dma_semaphore, #tpu.memory_space<semaphore_mem>>) {add = true}
        %dma_wait3A_203 = arith.constant 0 : i32
        %dma_wait3A_204 = tpu.memref_slice %arg8[%run_scoped3A_125, %dma_wait3A_203] : memref<2x128xi32, #tpu.memory_space<vmem>> -> memref<1x128xi32, #tpu.memory_space<vmem>>
        %dma_wait3A_205 = tpu.memref_squeeze %dma_wait3A_204 : memref<1x128xi32, #tpu.memory_space<vmem>> -> memref<128xi32, #tpu.memory_space<vmem>>
        %dma_wait3A_206 = arith.constant 0 : i32
        %dma_wait3A_207 = arith.constant 0 : i32
        %dma_wait3A_208 = tpu.memref_slice %arg11[%dma_wait3A_206, %dma_wait3A_207] : memref<10240x128xf32, #tpu.memory_space<vmem_shared>> -> memref<10240x128xf32, #tpu.memory_space<vmem_shared>>
        tpu.wait_indirect_dma semaphore(%run_scoped3A_196 : memref<!tpu.dma_semaphore, #tpu.memory_space<semaphore_mem>>) src(%arg9 : memref<128x128xf32, #tpu.memory_space<vmem>>) dst(%dma_wait3A_208 : memref<10240x128xf32, #tpu.memory_space<vmem_shared>>)
        tpu.yield
      }) : () -> ()
      %add3A_126 = arith.constant 2 : i32
      %add3A_127 = arith.addi %mul3A_105, %add3A_126 : i32
      %dma_start3A_128 = arith.constant 0 : i32
      %dma_start3A_129 = tpu.memref_slice %arg7[%add3A_127, %dma_start3A_128] : memref<80x128xi32, #tpu.memory_space<vmem>> -> memref<1x128xi32, #tpu.memory_space<vmem>>
      %dma_start3A_130 = tpu.memref_squeeze %dma_start3A_129 : memref<1x128xi32, #tpu.memory_space<vmem>> -> memref<128xi32, #tpu.memory_space<vmem>>
      %dma_start3A_131 = arith.constant 0 : i32
      %dma_start3A_132 = arith.constant 0 : i32
      %dma_start3A_133 = tpu.memref_slice %arg2[%dma_start3A_131, %dma_start3A_132] : memref<10240x128xf32, #tpu.memory_space<hbm>> -> memref<10240x128xf32, #tpu.memory_space<hbm>>
      tpu.enqueue_indirect_dma source(%dma_start3A_133 : memref<10240x128xf32, #tpu.memory_space<hbm>>) target(%arg9 : memref<128x128xf32, #tpu.memory_space<vmem>>) offsets(%dma_start3A_130 : memref<128xi32, #tpu.memory_space<vmem>>) semaphore(%arg12 : memref<!tpu.dma_semaphore, #tpu.memory_space<semaphore_mem>>)
      %add3A_134 = arith.constant 2 : i32
      %add3A_135 = arith.addi %mul3A_105, %add3A_134 : i32
      %dma_start3A_136 = arith.constant 0 : i32
      %dma_start3A_137 = arith.constant 0 : i32
      %dma_start3A_138 = tpu.memref_slice %arg8[%dma_start3A_136, %dma_start3A_137] : memref<2x128xi32, #tpu.memory_space<vmem>> -> memref<1x128xi32, #tpu.memory_space<vmem>>
      %dma_start3A_139 = tpu.memref_squeeze %dma_start3A_138 : memref<1x128xi32, #tpu.memory_space<vmem>> -> memref<128xi32, #tpu.memory_space<vmem>>
      %dma_start3A_140 = arith.constant 0 : i32
      %dma_start3A_141 = tpu.memref_slice %arg4[%add3A, %add3A_135, %dma_start3A_140] : memref<32x80x128xi32, #tpu.memory_space<hbm>> -> memref<1x1x128xi32, #tpu.memory_space<hbm>>
      %dma_start3A_142 = tpu.memref_squeeze %dma_start3A_141 : memref<1x1x128xi32, #tpu.memory_space<hbm>> -> memref<128xi32, #tpu.memory_space<hbm>>
      %dma_start3A_143 = arith.constant 0 : i32
      %dma_start3A_144 = tpu.memref_slice %arg8[%dma_start3A_136, %dma_start3A_143] : memref<2x128xi32, #tpu.memory_space<vmem>> -> memref<1x128xi32, #tpu.memory_space<vmem>>
      %dma_start3A_145 = tpu.memref_squeeze %dma_start3A_144 : memref<1x128xi32, #tpu.memory_space<vmem>> -> memref<128xi32, #tpu.memory_space<vmem>>
      %dma_start3A_146 = arith.constant 0 : i32
      %dma_start3A_147 = tpu.memref_slice %arg4[%add3A, %add3A_135, %dma_start3A_146] : memref<32x80x128xi32, #tpu.memory_space<hbm>> -> memref<1x1x128xi32, #tpu.memory_space<hbm>>
      %dma_start3A_148 = tpu.memref_squeeze %dma_start3A_147 : memref<1x1x128xi32, #tpu.memory_space<hbm>> -> memref<128xi32, #tpu.memory_space<hbm>>
      tpu.enqueue_dma source(%dma_start3A_148 : memref<128xi32, #tpu.memory_space<hbm>>) target(%dma_start3A_145 : memref<128xi32, #tpu.memory_space<vmem>>) target_semaphore(%arg14 : memref<!tpu.dma_semaphore, #tpu.memory_space<semaphore_mem>>)
      %add3A_149 = arith.constant 1 : i32
      %add3A_150 = arith.addi %mul3A_105, %add3A_149 : i32
      %dma_wait3A_151 = arith.constant 0 : i32
      %dma_wait3A_152 = tpu.memref_slice %arg7[%add3A_150, %dma_wait3A_151] : memref<80x128xi32, #tpu.memory_space<vmem>> -> memref<1x128xi32, #tpu.memory_space<vmem>>
      %dma_wait3A_153 = tpu.memref_squeeze %dma_wait3A_152 : memref<1x128xi32, #tpu.memory_space<vmem>> -> memref<128xi32, #tpu.memory_space<vmem>>
      %dma_wait3A_154 = arith.constant 0 : i32
      %dma_wait3A_155 = arith.constant 0 : i32
      %dma_wait3A_156 = tpu.memref_slice %arg2[%dma_wait3A_154, %dma_wait3A_155] : memref<10240x128xf32, #tpu.memory_space<hbm>> -> memref<10240x128xf32, #tpu.memory_space<hbm>>
      tpu.wait_indirect_dma semaphore(%arg13 : memref<!tpu.dma_semaphore, #tpu.memory_space<semaphore_mem>>) src(%dma_wait3A_156 : memref<10240x128xf32, #tpu.memory_space<hbm>>) dst(%arg10 : memref<128x128xf32, #tpu.memory_space<vmem>>)
      %add3A_157 = arith.constant 1 : i32
      %add3A_158 = arith.addi %mul3A_105, %add3A_157 : i32
      %dma_wait3A_159 = arith.constant 1 : i32
      %dma_wait3A_160 = arith.constant 0 : i32
      %dma_wait3A_161 = tpu.memref_slice %arg8[%dma_wait3A_159, %dma_wait3A_160] : memref<2x128xi32, #tpu.memory_space<vmem>> -> memref<1x128xi32, #tpu.memory_space<vmem>>
      %dma_wait3A_162 = tpu.memref_squeeze %dma_wait3A_161 : memref<1x128xi32, #tpu.memory_space<vmem>> -> memref<128xi32, #tpu.memory_space<vmem>>
      %dma_wait3A_163 = arith.constant 0 : i32
      %dma_wait3A_164 = tpu.memref_slice %arg4[%add3A, %add3A_158, %dma_wait3A_163] : memref<32x80x128xi32, #tpu.memory_space<hbm>> -> memref<1x1x128xi32, #tpu.memory_space<hbm>>
      %dma_wait3A_165 = tpu.memref_squeeze %dma_wait3A_164 : memref<1x1x128xi32, #tpu.memory_space<hbm>> -> memref<128xi32, #tpu.memory_space<hbm>>
      %dma_wait3A_166 = arith.constant 0 : i32
      %dma_wait3A_167 = tpu.memref_slice %arg8[%dma_wait3A_159, %dma_wait3A_166] : memref<2x128xi32, #tpu.memory_space<vmem>> -> memref<1x128xi32, #tpu.memory_space<vmem>>
      %dma_wait3A_168 = tpu.memref_squeeze %dma_wait3A_167 : memref<1x128xi32, #tpu.memory_space<vmem>> -> memref<128xi32, #tpu.memory_space<vmem>>
      %dma_wait3A_169 = arith.constant 0 : i32
      %dma_wait3A_170 = tpu.memref_slice %arg4[%add3A, %add3A_158, %dma_wait3A_169] : memref<32x80x128xi32, #tpu.memory_space<hbm>> -> memref<1x1x128xi32, #tpu.memory_space<hbm>>
      %dma_wait3A_171 = tpu.memref_squeeze %dma_wait3A_170 : memref<1x1x128xi32, #tpu.memory_space<hbm>> -> memref<128xi32, #tpu.memory_space<hbm>>
      tpu.wait_dma2 semaphore(%arg15 : memref<!tpu.dma_semaphore, #tpu.memory_space<semaphore_mem>>) src(%dma_wait3A_171 : memref<128xi32, #tpu.memory_space<hbm>>) dst(%dma_wait3A_168 : memref<128xi32, #tpu.memory_space<vmem>>)
      %run_scoped3A_172 = arith.constant 1 : i32
      "tpu.region"() ({
        %run_scoped3A_196 = tpu.sem_alloc : memref<!tpu.dma_semaphore, #tpu.memory_space<semaphore_mem>>
        %dma_start3A_197 = arith.constant 0 : i32
        %dma_start3A_198 = tpu.memref_slice %arg8[%run_scoped3A_172, %dma_start3A_197] : memref<2x128xi32, #tpu.memory_space<vmem>> -> memref<1x128xi32, #tpu.memory_space<vmem>>
        %dma_start3A_199 = tpu.memref_squeeze %dma_start3A_198 : memref<1x128xi32, #tpu.memory_space<vmem>> -> memref<128xi32, #tpu.memory_space<vmem>>
        %dma_start3A_200 = arith.constant 0 : i32
        %dma_start3A_201 = arith.constant 0 : i32
        %dma_start3A_202 = tpu.memref_slice %arg11[%dma_start3A_200, %dma_start3A_201] : memref<10240x128xf32, #tpu.memory_space<vmem_shared>> -> memref<10240x128xf32, #tpu.memory_space<vmem_shared>>
        tpu.enqueue_indirect_dma source(%arg10 : memref<128x128xf32, #tpu.memory_space<vmem>>) target(%dma_start3A_202 : memref<10240x128xf32, #tpu.memory_space<vmem_shared>>) offsets(%dma_start3A_199 : memref<128xi32, #tpu.memory_space<vmem>>) semaphore(%run_scoped3A_196 : memref<!tpu.dma_semaphore, #tpu.memory_space<semaphore_mem>>) {add = true}
        %dma_wait3A_203 = arith.constant 0 : i32
        %dma_wait3A_204 = tpu.memref_slice %arg8[%run_scoped3A_172, %dma_wait3A_203] : memref<2x128xi32, #tpu.memory_space<vmem>> -> memref<1x128xi32, #tpu.memory_space<vmem>>
        %dma_wait3A_205 = tpu.memref_squeeze %dma_wait3A_204 : memref<1x128xi32, #tpu.memory_space<vmem>> -> memref<128xi32, #tpu.memory_space<vmem>>
        %dma_wait3A_206 = arith.constant 0 : i32
        %dma_wait3A_207 = arith.constant 0 : i32
        %dma_wait3A_208 = tpu.memref_slice %arg11[%dma_wait3A_206, %dma_wait3A_207] : memref<10240x128xf32, #tpu.memory_space<vmem_shared>> -> memref<10240x128xf32, #tpu.memory_space<vmem_shared>>
        tpu.wait_indirect_dma semaphore(%run_scoped3A_196 : memref<!tpu.dma_semaphore, #tpu.memory_space<semaphore_mem>>) src(%arg10 : memref<128x128xf32, #tpu.memory_space<vmem>>) dst(%dma_wait3A_208 : memref<10240x128xf32, #tpu.memory_space<vmem_shared>>)
        tpu.yield
      }) : () -> ()
      %add3A_173 = arith.constant 3 : i32
      %add3A_174 = arith.addi %mul3A_105, %add3A_173 : i32
      %dma_start3A_175 = arith.constant 0 : i32
      %dma_start3A_176 = tpu.memref_slice %arg7[%add3A_174, %dma_start3A_175] : memref<80x128xi32, #tpu.memory_space<vmem>> -> memref<1x128xi32, #tpu.memory_space<vmem>>
      %dma_start3A_177 = tpu.memref_squeeze %dma_start3A_176 : memref<1x128xi32, #tpu.memory_space<vmem>> -> memref<128xi32, #tpu.memory_space<vmem>>
      %dma_start3A_178 = arith.constant 0 : i32
      %dma_start3A_179 = arith.constant 0 : i32
      %dma_start3A_180 = tpu.memref_slice %arg2[%dma_start3A_178, %dma_start3A_179] : memref<10240x128xf32, #tpu.memory_space<hbm>> -> memref<10240x128xf32, #tpu.memory_space<hbm>>
      tpu.enqueue_indirect_dma source(%dma_start3A_180 : memref<10240x128xf32, #tpu.memory_space<hbm>>) target(%arg10 : memref<128x128xf32, #tpu.memory_space<vmem>>) offsets(%dma_start3A_177 : memref<128xi32, #tpu.memory_space<vmem>>) semaphore(%arg13 : memref<!tpu.dma_semaphore, #tpu.memory_space<semaphore_mem>>)
      %add3A_181 = arith.constant 3 : i32
      %add3A_182 = arith.addi %mul3A_105, %add3A_181 : i32
      %dma_start3A_183 = arith.constant 1 : i32
      %dma_start3A_184 = arith.constant 0 : i32
      %dma_start3A_185 = tpu.memref_slice %arg8[%dma_start3A_183, %dma_start3A_184] : memref<2x128xi32, #tpu.memory_space<vmem>> -> memref<1x128xi32, #tpu.memory_space<vmem>>
      %dma_start3A_186 = tpu.memref_squeeze %dma_start3A_185 : memref<1x128xi32, #tpu.memory_space<vmem>> -> memref<128xi32, #tpu.memory_space<vmem>>
      %dma_start3A_187 = arith.constant 0 : i32
      %dma_start3A_188 = tpu.memref_slice %arg4[%add3A, %add3A_182, %dma_start3A_187] : memref<32x80x128xi32, #tpu.memory_space<hbm>> -> memref<1x1x128xi32, #tpu.memory_space<hbm>>
      %dma_start3A_189 = tpu.memref_squeeze %dma_start3A_188 : memref<1x1x128xi32, #tpu.memory_space<hbm>> -> memref<128xi32, #tpu.memory_space<hbm>>
      %dma_start3A_190 = arith.constant 0 : i32
      %dma_start3A_191 = tpu.memref_slice %arg8[%dma_start3A_183, %dma_start3A_190] : memref<2x128xi32, #tpu.memory_space<vmem>> -> memref<1x128xi32, #tpu.memory_space<vmem>>
      %dma_start3A_192 = tpu.memref_squeeze %dma_start3A_191 : memref<1x128xi32, #tpu.memory_space<vmem>> -> memref<128xi32, #tpu.memory_space<vmem>>
      %dma_start3A_193 = arith.constant 0 : i32
      %dma_start3A_194 = tpu.memref_slice %arg4[%add3A, %add3A_182, %dma_start3A_193] : memref<32x80x128xi32, #tpu.memory_space<hbm>> -> memref<1x1x128xi32, #tpu.memory_space<hbm>>
      %dma_start3A_195 = tpu.memref_squeeze %dma_start3A_194 : memref<1x1x128xi32, #tpu.memory_space<hbm>> -> memref<128xi32, #tpu.memory_space<hbm>>
      tpu.enqueue_dma source(%dma_start3A_195 : memref<128xi32, #tpu.memory_space<hbm>>) target(%dma_start3A_192 : memref<128xi32, #tpu.memory_space<vmem>>) target_semaphore(%arg15 : memref<!tpu.dma_semaphore, #tpu.memory_space<semaphore_mem>>)
    }
    %scan3A_50 = arith.constant 39 : i32
    %dma_wait3A = arith.constant 78 : i32
    %dma_wait3A_51 = arith.constant 0 : i32
    %dma_wait3A_52 = tpu.memref_slice %arg7[%dma_wait3A, %dma_wait3A_51] : memref<80x128xi32, #tpu.memory_space<vmem>> -> memref<1x128xi32, #tpu.memory_space<vmem>>
    %dma_wait3A_53 = tpu.memref_squeeze %dma_wait3A_52 : memref<1x128xi32, #tpu.memory_space<vmem>> -> memref<128xi32, #tpu.memory_space<vmem>>
    %dma_wait3A_54 = arith.constant 0 : i32
    %dma_wait3A_55 = arith.constant 0 : i32
    %dma_wait3A_56 = tpu.memref_slice %arg2[%dma_wait3A_54, %dma_wait3A_55] : memref<10240x128xf32, #tpu.memory_space<hbm>> -> memref<10240x128xf32, #tpu.memory_space<hbm>>
    tpu.wait_indirect_dma semaphore(%arg12 : memref<!tpu.dma_semaphore, #tpu.memory_space<semaphore_mem>>) src(%dma_wait3A_56 : memref<10240x128xf32, #tpu.memory_space<hbm>>) dst(%arg9 : memref<128x128xf32, #tpu.memory_space<vmem>>)
    %dma_wait3A_57 = arith.constant 78 : i32
    %dma_wait3A_58 = arith.constant 0 : i32
    %dma_wait3A_59 = arith.constant 0 : i32
    %dma_wait3A_60 = tpu.memref_slice %arg8[%dma_wait3A_58, %dma_wait3A_59] : memref<2x128xi32, #tpu.memory_space<vmem>> -> memref<1x128xi32, #tpu.memory_space<vmem>>
    %dma_wait3A_61 = tpu.memref_squeeze %dma_wait3A_60 : memref<1x128xi32, #tpu.memory_space<vmem>> -> memref<128xi32, #tpu.memory_space<vmem>>
    %dma_wait3A_62 = arith.constant 0 : i32
    %dma_wait3A_63 = tpu.memref_slice %arg4[%add3A, %dma_wait3A_57, %dma_wait3A_62] : memref<32x80x128xi32, #tpu.memory_space<hbm>> -> memref<1x1x128xi32, #tpu.memory_space<hbm>>
    %dma_wait3A_64 = tpu.memref_squeeze %dma_wait3A_63 : memref<1x1x128xi32, #tpu.memory_space<hbm>> -> memref<128xi32, #tpu.memory_space<hbm>>
    %dma_wait3A_65 = arith.constant 0 : i32
    %dma_wait3A_66 = tpu.memref_slice %arg8[%dma_wait3A_58, %dma_wait3A_65] : memref<2x128xi32, #tpu.memory_space<vmem>> -> memref<1x128xi32, #tpu.memory_space<vmem>>
    %dma_wait3A_67 = tpu.memref_squeeze %dma_wait3A_66 : memref<1x128xi32, #tpu.memory_space<vmem>> -> memref<128xi32, #tpu.memory_space<vmem>>
    %dma_wait3A_68 = arith.constant 0 : i32
    %dma_wait3A_69 = tpu.memref_slice %arg4[%add3A, %dma_wait3A_57, %dma_wait3A_68] : memref<32x80x128xi32, #tpu.memory_space<hbm>> -> memref<1x1x128xi32, #tpu.memory_space<hbm>>
    %dma_wait3A_70 = tpu.memref_squeeze %dma_wait3A_69 : memref<1x1x128xi32, #tpu.memory_space<hbm>> -> memref<128xi32, #tpu.memory_space<hbm>>
    tpu.wait_dma2 semaphore(%arg14 : memref<!tpu.dma_semaphore, #tpu.memory_space<semaphore_mem>>) src(%dma_wait3A_70 : memref<128xi32, #tpu.memory_space<hbm>>) dst(%dma_wait3A_67 : memref<128xi32, #tpu.memory_space<vmem>>)
    %run_scoped3A = arith.constant 0 : i32
    "tpu.region"() ({
      %run_scoped3A_99 = tpu.sem_alloc : memref<!tpu.dma_semaphore, #tpu.memory_space<semaphore_mem>>
      %dma_start3A_100 = arith.constant 0 : i32
      %dma_start3A_101 = tpu.memref_slice %arg8[%run_scoped3A, %dma_start3A_100] : memref<2x128xi32, #tpu.memory_space<vmem>> -> memref<1x128xi32, #tpu.memory_space<vmem>>
      %dma_start3A_102 = tpu.memref_squeeze %dma_start3A_101 : memref<1x128xi32, #tpu.memory_space<vmem>> -> memref<128xi32, #tpu.memory_space<vmem>>
      %dma_start3A_103 = arith.constant 0 : i32
      %dma_start3A_104 = arith.constant 0 : i32
      %dma_start3A_105 = tpu.memref_slice %arg11[%dma_start3A_103, %dma_start3A_104] : memref<10240x128xf32, #tpu.memory_space<vmem_shared>> -> memref<10240x128xf32, #tpu.memory_space<vmem_shared>>
      tpu.enqueue_indirect_dma source(%arg9 : memref<128x128xf32, #tpu.memory_space<vmem>>) target(%dma_start3A_105 : memref<10240x128xf32, #tpu.memory_space<vmem_shared>>) offsets(%dma_start3A_102 : memref<128xi32, #tpu.memory_space<vmem>>) semaphore(%run_scoped3A_99 : memref<!tpu.dma_semaphore, #tpu.memory_space<semaphore_mem>>) {add = true}
      %dma_wait3A_106 = arith.constant 0 : i32
      %dma_wait3A_107 = tpu.memref_slice %arg8[%run_scoped3A, %dma_wait3A_106] : memref<2x128xi32, #tpu.memory_space<vmem>> -> memref<1x128xi32, #tpu.memory_space<vmem>>
      %dma_wait3A_108 = tpu.memref_squeeze %dma_wait3A_107 : memref<1x128xi32, #tpu.memory_space<vmem>> -> memref<128xi32, #tpu.memory_space<vmem>>
      %dma_wait3A_109 = arith.constant 0 : i32
      %dma_wait3A_110 = arith.constant 0 : i32
      %dma_wait3A_111 = tpu.memref_slice %arg11[%dma_wait3A_109, %dma_wait3A_110] : memref<10240x128xf32, #tpu.memory_space<vmem_shared>> -> memref<10240x128xf32, #tpu.memory_space<vmem_shared>>
      tpu.wait_indirect_dma semaphore(%run_scoped3A_99 : memref<!tpu.dma_semaphore, #tpu.memory_space<semaphore_mem>>) src(%arg9 : memref<128x128xf32, #tpu.memory_space<vmem>>) dst(%dma_wait3A_111 : memref<10240x128xf32, #tpu.memory_space<vmem_shared>>)
      tpu.yield
    }) : () -> ()
    %dma_wait3A_71 = arith.constant 79 : i32
    %dma_wait3A_72 = arith.constant 0 : i32
    %dma_wait3A_73 = tpu.memref_slice %arg7[%dma_wait3A_71, %dma_wait3A_72] : memref<80x128xi32, #tpu.memory_space<vmem>> -> memref<1x128xi32, #tpu.memory_space<vmem>>
    %dma_wait3A_74 = tpu.memref_squeeze %dma_wait3A_73 : memref<1x128xi32, #tpu.memory_space<vmem>> -> memref<128xi32, #tpu.memory_space<vmem>>
    %dma_wait3A_75 = arith.constant 0 : i32
    %dma_wait3A_76 = arith.constant 0 : i32
    %dma_wait3A_77 = tpu.memref_slice %arg2[%dma_wait3A_75, %dma_wait3A_76] : memref<10240x128xf32, #tpu.memory_space<hbm>> -> memref<10240x128xf32, #tpu.memory_space<hbm>>
    tpu.wait_indirect_dma semaphore(%arg13 : memref<!tpu.dma_semaphore, #tpu.memory_space<semaphore_mem>>) src(%dma_wait3A_77 : memref<10240x128xf32, #tpu.memory_space<hbm>>) dst(%arg10 : memref<128x128xf32, #tpu.memory_space<vmem>>)
    %dma_wait3A_78 = arith.constant 79 : i32
    %dma_wait3A_79 = arith.constant 1 : i32
    %dma_wait3A_80 = arith.constant 0 : i32
    %dma_wait3A_81 = tpu.memref_slice %arg8[%dma_wait3A_79, %dma_wait3A_80] : memref<2x128xi32, #tpu.memory_space<vmem>> -> memref<1x128xi32, #tpu.memory_space<vmem>>
    %dma_wait3A_82 = tpu.memref_squeeze %dma_wait3A_81 : memref<1x128xi32, #tpu.memory_space<vmem>> -> memref<128xi32, #tpu.memory_space<vmem>>
    %dma_wait3A_83 = arith.constant 0 : i32
    %dma_wait3A_84 = tpu.memref_slice %arg4[%add3A, %dma_wait3A_78, %dma_wait3A_83] : memref<32x80x128xi32, #tpu.memory_space<hbm>> -> memref<1x1x128xi32, #tpu.memory_space<hbm>>
    %dma_wait3A_85 = tpu.memref_squeeze %dma_wait3A_84 : memref<1x1x128xi32, #tpu.memory_space<hbm>> -> memref<128xi32, #tpu.memory_space<hbm>>
    %dma_wait3A_86 = arith.constant 0 : i32
    %dma_wait3A_87 = tpu.memref_slice %arg8[%dma_wait3A_79, %dma_wait3A_86] : memref<2x128xi32, #tpu.memory_space<vmem>> -> memref<1x128xi32, #tpu.memory_space<vmem>>
    %dma_wait3A_88 = tpu.memref_squeeze %dma_wait3A_87 : memref<1x128xi32, #tpu.memory_space<vmem>> -> memref<128xi32, #tpu.memory_space<vmem>>
    %dma_wait3A_89 = arith.constant 0 : i32
    %dma_wait3A_90 = tpu.memref_slice %arg4[%add3A, %dma_wait3A_78, %dma_wait3A_89] : memref<32x80x128xi32, #tpu.memory_space<hbm>> -> memref<1x1x128xi32, #tpu.memory_space<hbm>>
    %dma_wait3A_91 = tpu.memref_squeeze %dma_wait3A_90 : memref<1x1x128xi32, #tpu.memory_space<hbm>> -> memref<128xi32, #tpu.memory_space<hbm>>
    tpu.wait_dma2 semaphore(%arg15 : memref<!tpu.dma_semaphore, #tpu.memory_space<semaphore_mem>>) src(%dma_wait3A_91 : memref<128xi32, #tpu.memory_space<hbm>>) dst(%dma_wait3A_88 : memref<128xi32, #tpu.memory_space<vmem>>)
    %run_scoped3A_92 = arith.constant 1 : i32
    "tpu.region"() ({
      %run_scoped3A_99 = tpu.sem_alloc : memref<!tpu.dma_semaphore, #tpu.memory_space<semaphore_mem>>
      %dma_start3A_100 = arith.constant 0 : i32
      %dma_start3A_101 = tpu.memref_slice %arg8[%run_scoped3A_92, %dma_start3A_100] : memref<2x128xi32, #tpu.memory_space<vmem>> -> memref<1x128xi32, #tpu.memory_space<vmem>>
      %dma_start3A_102 = tpu.memref_squeeze %dma_start3A_101 : memref<1x128xi32, #tpu.memory_space<vmem>> -> memref<128xi32, #tpu.memory_space<vmem>>
      %dma_start3A_103 = arith.constant 0 : i32
      %dma_start3A_104 = arith.constant 0 : i32
      %dma_start3A_105 = tpu.memref_slice %arg11[%dma_start3A_103, %dma_start3A_104] : memref<10240x128xf32, #tpu.memory_space<vmem_shared>> -> memref<10240x128xf32, #tpu.memory_space<vmem_shared>>
      tpu.enqueue_indirect_dma source(%arg10 : memref<128x128xf32, #tpu.memory_space<vmem>>) target(%dma_start3A_105 : memref<10240x128xf32, #tpu.memory_space<vmem_shared>>) offsets(%dma_start3A_102 : memref<128xi32, #tpu.memory_space<vmem>>) semaphore(%run_scoped3A_99 : memref<!tpu.dma_semaphore, #tpu.memory_space<semaphore_mem>>) {add = true}
      %dma_wait3A_106 = arith.constant 0 : i32
      %dma_wait3A_107 = tpu.memref_slice %arg8[%run_scoped3A_92, %dma_wait3A_106] : memref<2x128xi32, #tpu.memory_space<vmem>> -> memref<1x128xi32, #tpu.memory_space<vmem>>
      %dma_wait3A_108 = tpu.memref_squeeze %dma_wait3A_107 : memref<1x128xi32, #tpu.memory_space<vmem>> -> memref<128xi32, #tpu.memory_space<vmem>>
      %dma_wait3A_109 = arith.constant 0 : i32
      %dma_wait3A_110 = arith.constant 0 : i32
      %dma_wait3A_111 = tpu.memref_slice %arg11[%dma_wait3A_109, %dma_wait3A_110] : memref<10240x128xf32, #tpu.memory_space<vmem_shared>> -> memref<10240x128xf32, #tpu.memory_space<vmem_shared>>
      tpu.wait_indirect_dma semaphore(%run_scoped3A_99 : memref<!tpu.dma_semaphore, #tpu.memory_space<semaphore_mem>>) src(%arg10 : memref<128x128xf32, #tpu.memory_space<vmem>>) dst(%dma_wait3A_111 : memref<10240x128xf32, #tpu.memory_space<vmem_shared>>)
      tpu.yield
    }) : () -> ()
    %barrier3A_93 = arith.constant 0 : index
    tpu.barrier barrier_id(%barrier3A_93)
    %scan3A_94 = arith.constant 0 : i32
    %scan3A_95 = arith.constant 5 : i32
    %scan3A_96 = arith.addi %scan3A_94, %scan3A_95 : i32
    %scan3A_97 = arith.constant 1 : i32
    scf.for %scan3A_99 = %scan3A_94 to %scan3A_96 step %scan3A_97  : i32 {
      %mul3A_100 = arith.constant 1 : i32
      %mul3A_101 = arith.muli %scan3A_99, %mul3A_100 : i32
      %add3A_102 = arith.constant 0 : i32
      %add3A_103 = arith.addi %add3A_102, %mul3A_101 : i32
      %mul3A_104 = arith.constant 640 : i32
      %mul3A_105 = arith.muli %arg1, %mul3A_104 : i32
      %mul3A_106 = arith.constant 128 : i32
      %mul3A_107 = arith.muli %add3A_103, %mul3A_106 : i32
      %add3A_108 = arith.addi %mul3A_105, %mul3A_107 : i32
      "tpu.region"() ({
        %run_scoped3A_109 = tpu.sem_alloc : memref<!tpu.dma_semaphore, #tpu.memory_space<semaphore_mem>>
        %dma_start3A_110 = arith.constant 0 : i32
        %dma_start3A_111 = tpu.memref_slice %arg6[%arg0, %add3A_108, %dma_start3A_110] : memref<2x10240x128xf32, #tpu.memory_space<hbm>> -> memref<1x128x128xf32, #tpu.memory_space<hbm>>
        %dma_start3A_112 = tpu.memref_squeeze %dma_start3A_111 : memref<1x128x128xf32, #tpu.memory_space<hbm>> -> memref<128x128xf32, #tpu.memory_space<hbm>>
        %dma_start3A_113 = arith.constant 0 : i32
        %dma_start3A_114 = tpu.memref_slice %arg11[%add3A_108, %dma_start3A_113] : memref<10240x128xf32, #tpu.memory_space<vmem_shared>> -> memref<128x128xf32, #tpu.memory_space<vmem_shared>>
        tpu.enqueue_dma source(%dma_start3A_114 : memref<128x128xf32, #tpu.memory_space<vmem_shared>>) target(%dma_start3A_112 : memref<128x128xf32, #tpu.memory_space<hbm>>) target_semaphore(%run_scoped3A_109 : memref<!tpu.dma_semaphore, #tpu.memory_space<semaphore_mem>>)
        %dma_wait3A_115 = arith.constant 0 : i32
        %dma_wait3A_116 = tpu.memref_slice %arg6[%arg0, %add3A_108, %dma_wait3A_115] : memref<2x10240x128xf32, #tpu.memory_space<hbm>> -> memref<1x128x128xf32, #tpu.memory_space<hbm>>
        %dma_wait3A_117 = tpu.memref_squeeze %dma_wait3A_116 : memref<1x128x128xf32, #tpu.memory_space<hbm>> -> memref<128x128xf32, #tpu.memory_space<hbm>>
        %dma_wait3A_118 = arith.constant 0 : i32
        %dma_wait3A_119 = tpu.memref_slice %arg11[%add3A_108, %dma_wait3A_118] : memref<10240x128xf32, #tpu.memory_space<vmem_shared>> -> memref<128x128xf32, #tpu.memory_space<vmem_shared>>
        tpu.wait_dma2 semaphore(%run_scoped3A_109 : memref<!tpu.dma_semaphore, #tpu.memory_space<semaphore_mem>>) src(%dma_wait3A_119 : memref<128x128xf32, #tpu.memory_space<vmem_shared>>) dst(%dma_wait3A_117 : memref<128x128xf32, #tpu.memory_space<hbm>>)
        tpu.yield
      }) : () -> ()
    }
    %scan3A_98 = arith.constant 5 : i32
    return
  }
}

module attributes {stable_mosaic.version = 14 : i64} {
  func.func @_k1_body(%arg0: i32, %arg1: memref<2x1024xf32, #tpu.memory_space<vmem>>, %arg2: memref<1024x128xf32, #tpu.memory_space<vmem>>, %arg3: memref<128x128xf32, #tpu.memory_space<vmem>>, %arg4: memref<1024x128xf32, #tpu.memory_space<vmem>>, %arg5: memref<1024x1xf32, #tpu.memory_space<vmem>>) attributes {dimension_semantics = [#tpu.dimension_semantics<arbitrary>], iteration_bounds = array<i64: 10>, scalar_prefetch = 0 : i64, scratch_operands = 0 : i64, tpu.core_type = #tpu.core_type<tc>, window_params = [{transform_indices = @transform_0, window_bounds = array<i64: 2, 1024>}, {transform_indices = @transform_1, window_bounds = array<i64: 1024, 128>}, {pipeline_mode = #tpu.pipeline_mode<synchronous>, transform_indices = @transform_2, window_bounds = array<i64: 128, 128>}, {transform_indices = @transform_3, window_bounds = array<i64: 1024, 128>}, {transform_indices = @transform_4, window_bounds = array<i64: 1024, 1>}]} {
    %get3A = arith.constant 0 : index
    %get3A_0 = arith.constant 0 : index
    %get3A_1 = vector.load %arg1[%get3A, %get3A_0] : memref<2x1024xf32, #tpu.memory_space<vmem>>, vector<1x1024xf32>
    %get3A_2 = vector.shape_cast %get3A_1 : vector<1x1024xf32> to vector<1024xf32>
    %get3A_3 = arith.constant 1 : index
    %get3A_4 = arith.constant 0 : index
    %get3A_5 = vector.load %arg1[%get3A_3, %get3A_4] : memref<2x1024xf32, #tpu.memory_space<vmem>>, vector<1x1024xf32>
    %get3A_6 = vector.shape_cast %get3A_5 : vector<1x1024xf32> to vector<1024xf32>
    %add3A = arith.addf %get3A_2, %get3A_6 : vector<1024xf32>
    %add3A_7 = arith.constant 1.000000e+00 : f32
    %add3A_8 = vector.broadcast %add3A_7 : f32 to vector<1024xf32>
    %add3A_9 = arith.addf %add3A, %add3A_8 : vector<1024xf32>
    %rsqrt3A = math.rsqrt %add3A_9 : vector<1024xf32>
    %get3A_10 = arith.constant 0 : index
    %get3A_11 = arith.constant 0 : index
    %get3A_12 = vector.load %arg2[%get3A_10, %get3A_11] : memref<1024x128xf32, #tpu.memory_space<vmem>>, vector<1024x128xf32>
    %get3A_13 = arith.constant 0 : index
    %get3A_14 = arith.constant 0 : index
    %get3A_15 = vector.load %arg3[%get3A_13, %get3A_14] : memref<128x128xf32, #tpu.memory_space<vmem>>, vector<128x128xf32>
    %dot_general3A = arith.constant dense<0.000000e+00> : vector<1024x128xf32>
    %dot_general3A_16 = tpu.matmul %get3A_12, %get3A_15, %dot_general3A {dimension_numbers = #tpu.dot_dimension_numbers<[1], [0], [0], [1], [0, 0, 1, 1], [], []>, transpose_lhs_hint = false} : vector<1024x128xf32>, vector<128x128xf32>, vector<1024x128xf32> -> vector<1024x128xf32>
    %broadcast_in_dim3A = vector.shape_cast %rsqrt3A : vector<1024xf32> to vector<1024x1xf32>
    %mul3A = vector.broadcast %broadcast_in_dim3A : vector<1024x1xf32> to vector<1024x128xf32>
    %mul3A_17 = arith.mulf %dot_general3A_16, %mul3A : vector<1024x128xf32>
    %swap3A = arith.constant 0 : index
    %swap3A_18 = arith.constant 0 : index
    %swap3A_19 = vector.load %arg4[%swap3A, %swap3A_18] : memref<1024x128xf32, #tpu.memory_space<vmem>>, vector<1024x128xf32>
    tpu.vector_store %arg4[%swap3A, %swap3A_18], %mul3A_17 {strides = array<i32>} : memref<1024x128xf32, #tpu.memory_space<vmem>>, vector<1024x128xf32>,
    %broadcast_in_dim3A_20 = vector.shape_cast %rsqrt3A : vector<1024xf32> to vector<1024x1xf32>
    %swap3A_21 = arith.constant 0 : index
    %swap3A_22 = arith.constant 0 : index
    %swap3A_23 = vector.load %arg5[%swap3A_21, %swap3A_22] : memref<1024x1xf32, #tpu.memory_space<vmem>>, vector<1024x1xf32>
    tpu.vector_store %arg5[%swap3A_21, %swap3A_22], %broadcast_in_dim3A_20 {strides = array<i32>} : memref<1024x1xf32, #tpu.memory_space<vmem>>, vector<1024x1xf32>,
    return
  }
  func.func @transform_0(%arg0: i32) -> (i32, i32) {
    %c0_i32 = arith.constant 0 : i32
    %c0_i32_0 = arith.constant 0 : i32
    return %c0_i32, %arg0 : i32, i32
  }
  func.func @transform_1(%arg0: i32) -> (i32, i32) {
    %c0_i32 = arith.constant 0 : i32
    %c0_i32_0 = arith.constant 0 : i32
    return %arg0, %c0_i32 : i32, i32
  }
  func.func @transform_2(%arg0: i32) -> (i32, i32) {
    %c0_i32 = arith.constant 0 : i32
    %c0_i32_0 = arith.constant 0 : i32
    %c0_i32_1 = arith.constant 0 : i32
    return %c0_i32, %c0_i32_0 : i32, i32
  }
  func.func @transform_3(%arg0: i32) -> (i32, i32) {
    %c0_i32 = arith.constant 0 : i32
    %c0_i32_0 = arith.constant 0 : i32
    return %arg0, %c0_i32 : i32, i32
  }
  func.func @transform_4(%arg0: i32) -> (i32, i32) {
    %c0_i32 = arith.constant 0 : i32
    %c0_i32_0 = arith.constant 0 : i32
    return %arg0, %c0_i32 : i32, i32
  }
}

module attributes {stable_mosaic.version = 14 : i64} {
  func.func @_kmid_body(%arg0: i32, %arg1: memref<2x1024x128xf32, #tpu.memory_space<vmem>>, %arg2: memref<1024x128xf32, #tpu.memory_space<vmem>>, %arg3: memref<1024x1xf32, #tpu.memory_space<vmem>>, %arg4: memref<1x128xf32, #tpu.memory_space<vmem>>, %arg5: memref<128x128xf32, #tpu.memory_space<vmem>>, %arg6: memref<1024x128xf32, #tpu.memory_space<vmem>>) attributes {dimension_semantics = [#tpu.dimension_semantics<arbitrary>], iteration_bounds = array<i64: 10>, scalar_prefetch = 0 : i64, scratch_operands = 0 : i64, tpu.core_type = #tpu.core_type<tc>, window_params = [{transform_indices = @transform_0, window_bounds = array<i64: 2, 1024, 128>}, {transform_indices = @transform_1, window_bounds = array<i64: 1024, 128>}, {transform_indices = @transform_2, window_bounds = array<i64: 1024, 1>}, {pipeline_mode = #tpu.pipeline_mode<synchronous>, transform_indices = @transform_3, window_bounds = array<i64: 1, 128>}, {pipeline_mode = #tpu.pipeline_mode<synchronous>, transform_indices = @transform_4, window_bounds = array<i64: 128, 128>}, {transform_indices = @transform_5, window_bounds = array<i64: 1024, 128>}]} {
    %get3A = arith.constant 0 : index
    %get3A_0 = arith.constant 0 : index
    %get3A_1 = arith.constant 0 : index
    %get3A_2 = vector.load %arg1[%get3A, %get3A_0, %get3A_1] : memref<2x1024x128xf32, #tpu.memory_space<vmem>>, vector<1x1024x128xf32>
    %get3A_3 = vector.shape_cast %get3A_2 : vector<1x1024x128xf32> to vector<1024x128xf32>
    %get3A_4 = arith.constant 1 : index
    %get3A_5 = arith.constant 0 : index
    %get3A_6 = arith.constant 0 : index
    %get3A_7 = vector.load %arg1[%get3A_4, %get3A_5, %get3A_6] : memref<2x1024x128xf32, #tpu.memory_space<vmem>>, vector<1x1024x128xf32>
    %get3A_8 = vector.shape_cast %get3A_7 : vector<1x1024x128xf32> to vector<1024x128xf32>
    %add3A = arith.addf %get3A_3, %get3A_8 : vector<1024x128xf32>
    %get3A_9 = arith.constant 0 : index
    %get3A_10 = arith.constant 0 : index
    %get3A_11 = vector.load %arg2[%get3A_9, %get3A_10] : memref<1024x128xf32, #tpu.memory_space<vmem>>, vector<1024x128xf32>
    %add3A_12 = arith.addf %add3A, %get3A_11 : vector<1024x128xf32>
    %get3A_13 = arith.constant 0 : index
    %get3A_14 = arith.constant 0 : index
    %get3A_15 = vector.load %arg3[%get3A_13, %get3A_14] : memref<1024x1xf32, #tpu.memory_space<vmem>>, vector<1024x1xf32>
    %mul3A = vector.broadcast %get3A_15 : vector<1024x1xf32> to vector<1024x128xf32>
    %mul3A_16 = arith.mulf %add3A_12, %mul3A : vector<1024x128xf32>
    %get3A_17 = arith.constant 0 : index
    %get3A_18 = arith.constant 0 : index
    %get3A_19 = vector.load %arg4[%get3A_17, %get3A_18] : memref<1x128xf32, #tpu.memory_space<vmem>>, vector<1x128xf32>
    %add3A_20 = vector.broadcast %get3A_19 : vector<1x128xf32> to vector<1024x128xf32>
    %add3A_21 = arith.addf %mul3A_16, %add3A_20 : vector<1024x128xf32>
    %max3A = arith.constant 0.000000e+00 : f32
    %max3A_22 = vector.broadcast %max3A : f32 to vector<1024x128xf32>
    %max3A_23 = arith.maximumf %add3A_21, %max3A_22 : vector<1024x128xf32>
    %get3A_24 = arith.constant 0 : index
    %get3A_25 = arith.constant 0 : index
    %get3A_26 = vector.load %arg5[%get3A_24, %get3A_25] : memref<128x128xf32, #tpu.memory_space<vmem>>, vector<128x128xf32>
    %dot_general3A = arith.constant dense<0.000000e+00> : vector<1024x128xf32>
    %dot_general3A_27 = tpu.matmul %max3A_23, %get3A_26, %dot_general3A {dimension_numbers = #tpu.dot_dimension_numbers<[1], [0], [0], [1], [0, 0, 1, 1], [], []>, transpose_lhs_hint = false} : vector<1024x128xf32>, vector<128x128xf32>, vector<1024x128xf32> -> vector<1024x128xf32>
    %mul3A_28 = vector.broadcast %get3A_15 : vector<1024x1xf32> to vector<1024x128xf32>
    %mul3A_29 = arith.mulf %dot_general3A_27, %mul3A_28 : vector<1024x128xf32>
    %swap3A = arith.constant 0 : index
    %swap3A_30 = arith.constant 0 : index
    %swap3A_31 = vector.load %arg6[%swap3A, %swap3A_30] : memref<1024x128xf32, #tpu.memory_space<vmem>>, vector<1024x128xf32>
    tpu.vector_store %arg6[%swap3A, %swap3A_30], %mul3A_29 {strides = array<i32>} : memref<1024x128xf32, #tpu.memory_space<vmem>>, vector<1024x128xf32>,
    return
  }
  func.func @transform_0(%arg0: i32) -> (i32, i32, i32) {
    %c0_i32 = arith.constant 0 : i32
    %c0_i32_0 = arith.constant 0 : i32
    %c0_i32_1 = arith.constant 0 : i32
    return %c0_i32, %arg0, %c0_i32_0 : i32, i32, i32
  }
  func.func @transform_1(%arg0: i32) -> (i32, i32) {
    %c0_i32 = arith.constant 0 : i32
    %c0_i32_0 = arith.constant 0 : i32
    return %arg0, %c0_i32 : i32, i32
  }
  func.func @transform_2(%arg0: i32) -> (i32, i32) {
    %c0_i32 = arith.constant 0 : i32
    %c0_i32_0 = arith.constant 0 : i32
    return %arg0, %c0_i32 : i32, i32
  }
  func.func @transform_3(%arg0: i32) -> (i32, i32) {
    %c0_i32 = arith.constant 0 : i32
    %c0_i32_0 = arith.constant 0 : i32
    %c0_i32_1 = arith.constant 0 : i32
    return %c0_i32, %c0_i32_0 : i32, i32
  }
  func.func @transform_4(%arg0: i32) -> (i32, i32) {
    %c0_i32 = arith.constant 0 : i32
    %c0_i32_0 = arith.constant 0 : i32
    %c0_i32_1 = arith.constant 0 : i32
    return %c0_i32, %c0_i32_0 : i32, i32
  }
  func.func @transform_5(%arg0: i32) -> (i32, i32) {
    %c0_i32 = arith.constant 0 : i32
    %c0_i32_0 = arith.constant 0 : i32
    return %arg0, %c0_i32 : i32, i32
  }
}

module attributes {stable_mosaic.version = 14 : i64} {
  func.func @_kout_body(%arg0: i32, %arg1: memref<2x1024x128xf32, #tpu.memory_space<vmem>>, %arg2: memref<1024x128xf32, #tpu.memory_space<vmem>>, %arg3: memref<1024x1xf32, #tpu.memory_space<vmem>>, %arg4: memref<1x128xf32, #tpu.memory_space<vmem>>, %arg5: memref<1024x128xf32, #tpu.memory_space<vmem>>) attributes {dimension_semantics = [#tpu.dimension_semantics<arbitrary>], iteration_bounds = array<i64: 10>, scalar_prefetch = 0 : i64, scratch_operands = 0 : i64, tpu.core_type = #tpu.core_type<tc>, window_params = [{transform_indices = @transform_0, window_bounds = array<i64: 2, 1024, 128>}, {transform_indices = @transform_1, window_bounds = array<i64: 1024, 128>}, {transform_indices = @transform_2, window_bounds = array<i64: 1024, 1>}, {pipeline_mode = #tpu.pipeline_mode<synchronous>, transform_indices = @transform_3, window_bounds = array<i64: 1, 128>}, {transform_indices = @transform_4, window_bounds = array<i64: 1024, 128>}]} {
    %get3A = arith.constant 0 : index
    %get3A_0 = arith.constant 0 : index
    %get3A_1 = arith.constant 0 : index
    %get3A_2 = vector.load %arg1[%get3A, %get3A_0, %get3A_1] : memref<2x1024x128xf32, #tpu.memory_space<vmem>>, vector<1x1024x128xf32>
    %get3A_3 = vector.shape_cast %get3A_2 : vector<1x1024x128xf32> to vector<1024x128xf32>
    %get3A_4 = arith.constant 1 : index
    %get3A_5 = arith.constant 0 : index
    %get3A_6 = arith.constant 0 : index
    %get3A_7 = vector.load %arg1[%get3A_4, %get3A_5, %get3A_6] : memref<2x1024x128xf32, #tpu.memory_space<vmem>>, vector<1x1024x128xf32>
    %get3A_8 = vector.shape_cast %get3A_7 : vector<1x1024x128xf32> to vector<1024x128xf32>
    %add3A = arith.addf %get3A_3, %get3A_8 : vector<1024x128xf32>
    %get3A_9 = arith.constant 0 : index
    %get3A_10 = arith.constant 0 : index
    %get3A_11 = vector.load %arg2[%get3A_9, %get3A_10] : memref<1024x128xf32, #tpu.memory_space<vmem>>, vector<1024x128xf32>
    %add3A_12 = arith.addf %add3A, %get3A_11 : vector<1024x128xf32>
    %get3A_13 = arith.constant 0 : index
    %get3A_14 = arith.constant 0 : index
    %get3A_15 = vector.load %arg3[%get3A_13, %get3A_14] : memref<1024x1xf32, #tpu.memory_space<vmem>>, vector<1024x1xf32>
    %mul3A = vector.broadcast %get3A_15 : vector<1024x1xf32> to vector<1024x128xf32>
    %mul3A_16 = arith.mulf %add3A_12, %mul3A : vector<1024x128xf32>
    %get3A_17 = arith.constant 0 : index
    %get3A_18 = arith.constant 0 : index
    %get3A_19 = vector.load %arg4[%get3A_17, %get3A_18] : memref<1x128xf32, #tpu.memory_space<vmem>>, vector<1x128xf32>
    %add3A_20 = vector.broadcast %get3A_19 : vector<1x128xf32> to vector<1024x128xf32>
    %add3A_21 = arith.addf %mul3A_16, %add3A_20 : vector<1024x128xf32>
    %swap3A = arith.constant 0 : index
    %swap3A_22 = arith.constant 0 : index
    %swap3A_23 = vector.load %arg5[%swap3A, %swap3A_22] : memref<1024x128xf32, #tpu.memory_space<vmem>>, vector<1024x128xf32>
    tpu.vector_store %arg5[%swap3A, %swap3A_22], %add3A_21 {strides = array<i32>} : memref<1024x128xf32, #tpu.memory_space<vmem>>, vector<1024x128xf32>,
    return
  }
  func.func @transform_0(%arg0: i32) -> (i32, i32, i32) {
    %c0_i32 = arith.constant 0 : i32
    %c0_i32_0 = arith.constant 0 : i32
    %c0_i32_1 = arith.constant 0 : i32
    return %c0_i32, %arg0, %c0_i32_0 : i32, i32, i32
  }
  func.func @transform_1(%arg0: i32) -> (i32, i32) {
    %c0_i32 = arith.constant 0 : i32
    %c0_i32_0 = arith.constant 0 : i32
    return %arg0, %c0_i32 : i32, i32
  }
  func.func @transform_2(%arg0: i32) -> (i32, i32) {
    %c0_i32 = arith.constant 0 : i32
    %c0_i32_0 = arith.constant 0 : i32
    return %arg0, %c0_i32 : i32, i32
  }
  func.func @transform_3(%arg0: i32) -> (i32, i32) {
    %c0_i32 = arith.constant 0 : i32
    %c0_i32_0 = arith.constant 0 : i32
    %c0_i32_1 = arith.constant 0 : i32
    return %c0_i32, %c0_i32_0 : i32, i32
  }
  func.func @transform_4(%arg0: i32) -> (i32, i32) {
    %c0_i32 = arith.constant 0 : i32
    %c0_i32_0 = arith.constant 0 : i32
    return %arg0, %c0_i32 : i32, i32
  }
}

</mosaic_0001>

<sc_bundles>
// kernel: kernel.11.cloned.1.call-start
scs
__scs_entry_jumppad:
0x0: {  	(pc) =	sbr.rel $0x88, $3  }
0x1: {  	(tag) =	ssettag $0x0;
	lr =	simm.s32 $0x1  }
0x2: {  	[smem:$0x3F9B] =	sst lr;
	_ =	strace $0xD0000000  }
0x3: {  	_ = 	snop  }
0x4: {  	_ = 	snop  }
0x5: {  	_ = 	snop  }
0x6: {  	_ = 	snop  }
0x7: {  	_ = 	snop  }
__scs_overlays_trampoline_lowered:
0x8: {  	[smem:$0x3FAA] =	sst s0  }
0x9: {  	[smem:$0x3FAB] =	sst s1  }
0xa: {  	[smem:$0x3FAC] =	sst s2  }
0xb: {  	[smem:$0x3FAD] =	sst s3  }
0xc: {  	[smem:$0x3FAE] =	sst s4  }
0xd: {  	[smem:$0x3FAF] =	sst s5  }
0xe: {  	[smem:$0x3FB0] =	sst s6  }
0xf: {  	[smem:$0x3FB1] =	sst s7  }
0x10: {  	[smem:$0x3FB2] =	sst s8  }
0x11: {  	[smem:$0x3FB3] =	sst s9;
	s0 =	simm.s32 @!p0 $0x0  }
0x12: {  	s1 =	sld [smem:$0x3F99];
	s0 =	simm.s32 @p0 $0x1  }
0x13: {  	[smem:$0x3FB4] =	sst s0;
	s0 =	simm.s32 @!p1 $0x0  }
0x14: {  	s2 =	sld [smem:$0x3F98];
	s0 =	simm.s32 @p1 $0x1  }
0x15: {  	[smem:$0x3FB5] =	sst s0;
	s0 =	simm.s32 @!p2 $0x0  }
0x16: {  	s3 =	sld [smem:$0x3FDB];
	s0 =	simm.s32 @p2 $0x1  }
0x17: {  	s4 =	simm.s32 $0x1BF5;
	[smem:$0x3FB7] =	sst s0  }
0x18: {  	s0 =	sld [smem:$0x3F9A];
	_ =	swait.ge [sflag:s4], $0x0  }
0x19: {  	s7 =	sld [smem:$0x3F9B]  }
0x1a: {  	s8 =	sadd.s32 $0xFFFFE003, lr  }
0x1b: {  	s9 =	sadd.s32 $0xFFFFFEF7, lr;
	s5 =	simm.s32 $0xFFFFFFFF;
	p2 =	slt.u32 s8, $0xFFFFF086  }
0x1c: {  	p1 =	slt.u32 s9, $0xF7A;
	s5 =	simm.s32 @!p2 $0x0  }
0x1d: {  	s5 =	simm.s32 @p1 $0x1;
	p0 =	seq.s32 s7, s2  }
0x1e: {  	s7 =	smul.u32 @!p0 $0xF7A, s2;
	p2 =	seq.s32 @!p0 s5, $0x0  }
0x1f: {  	s9 =	smul.u32 $0xF7A, s1;
	s8 =	simm.s32 @!p0 $0x1BF5;
	p2 =	por !p2, p0  }
0x20: {  	[sflag:s8] =	ssyncset.s32 @!p0 $0xFFFFF086;
	s6 =	sadd.s32 @!p0 s3, s7;
	s7 =	simm.s32 @!p0 $0x108  }
0x21: {  	s3 =	sadd.s32 s3, s9;
	s6 =	sadd.s32 @!p0 $0x88, s6;
	s7 =	simm.s32 @p2 $0x1082  }
0x22: {  	[simem:s7], [sflag:s8] =	dma.local @!p0 [hbm:s6], $0xF7A  }
0x23: {  	s9 =	sor.u32 $0xD0000000, s2;
	s6 =	simm.s32 $0x108;
	_ =	swait.ge @!p0 [sflag:s8], $0x0  }
0x24: {  	s3 =	sadd.s32 $0x88, s3;
	s6 =	simm.s32 @!p1 $0x1082;
	[sflag:s4] =	ssyncset.s32 $0xFFFFF086  }
0x25: {  	[simem:s6], [sflag:s4] =	dma.local [hbm:s3], $0xF7A  }
0x26: {  	[smem:$0x3F9B] =	sst s1;
	(tag) =	ssettag s2;
	_ =	strace s9  }
0x27: {  	s1 =	sld [smem:$0x3FAB]  }
0x28: {  	s2 =	sld [smem:$0x3FAC]  }
0x29: {  	s4 =	sld [smem:$0x3FAE]  }
0x2a: {  	p0 =	seq.s32 s5, $0x0;
	s5 =	sld [smem:$0x3FAF]  }
0x2b: {  	s6 =	sld [smem:$0x3FB0]  }
0x2c: {  	s7 =	sld [smem:$0x3FB1]  }
0x2d: {  	s3 =	simm.s32 $0x108;
	s8 =	sld [smem:$0x3FB2]  }
0x2e: {  	s3 =	simm.s32 @!p0 $0x1082;
	s9 =	sld [smem:$0x3FB3]  }
0x2f: {  	lr =	sadd.s32 s0, s3;
	s0 =	sld [smem:$0x3FAA]  }
0x30: {  	s3 =	sld [smem:$0x3FAD]  }
0x31: {  	[smem:$0x3FB6] =	sst s10  }
0x32: {  	s10 =	sld [smem:$0x3FB4];
	_ =	sdelay $0x3  }
0x33: {  	p0 =	seq.s32 s10, $0x1;
	s10 =	sld [smem:$0x3FB6];
	_ =	sdelay $0x3  }
0x34: {  	[smem:$0x3FB6] =	sst s10  }
0x35: {  	s10 =	sld [smem:$0x3FB5];
	_ =	sdelay $0x3  }
0x36: {  	p1 =	seq.s32 s10, $0x1;
	s10 =	sld [smem:$0x3FB6];
	_ =	sdelay $0x3  }
0x37: {  	[smem:$0x3FB6] =	sst s10  }
0x38: {  	s10 =	sld [smem:$0x3FB7]  }
0x39: {  	_ = 	snop;
	(pc) =	sbr.ind lr, $3  }
0x3a: {  	_ = 	snop  }
0x3b: {  	_ = 	snop  }
0x3c: {  	p2 =	seq.s32 s10, $0x1;
	s10 =	sld [smem:$0x3FB6]  }
0x3d: {  	_ =	shalt  }
0x3e: {  	_ =	shalt  }
0x3f: {  	_ =	shalt  }
0x40: {  	_ =	shalt  }
0x41: {  	_ =	shalt  }
0x42: {  	_ =	shalt  }
0x43: {  	_ =	shalt  }
0x44: {  	_ =	shalt  }
0x45: {  	_ =	shalt  }
0x46: {  	_ =	shalt  }
0x47: {  	_ =	shalt  }
0x48: {  	_ =	shalt  }
0x49: {  	_ =	shalt  }
0x4a: {  	_ =	shalt  }
0x4b: {  	_ =	shalt  }
0x4c: {  	_ =	shalt  }
0x4d: {  	_ =	shalt  }
0x4e: {  	_ =	shalt  }
0x4f: {  	_ =	shalt  }
0x50: {  	_ =	shalt  }
0x51: {  	_ =	shalt  }
0x52: {  	_ =	shalt  }
0x53: {  	_ =	shalt  }
0x54: {  	_ =	shalt  }
0x55: {  	_ =	shalt  }
0x56: {  	_ =	shalt  }
0x57: {  	_ =	shalt  }
0x58: {  	_ =	shalt  }
0x59: {  	_ =	shalt  }
0x5a: {  	_ =	shalt  }
0x5b: {  	_ =	shalt  }
0x5c: {  	_ =	shalt  }
0x5d: {  	_ =	shalt  }
0x5e: {  	_ =	shalt  }
0x5f: {  	_ =	shalt  }
0x60: {  	_ =	shalt  }
0x61: {  	_ =	shalt  }
0x62: {  	_ =	shalt  }
0x63: {  	_ =	shalt  }
0x64: {  	_ =	shalt  }
0x65: {  	_ =	shalt  }
0x66: {  	_ =	shalt  }
0x67: {  	_ =	shalt  }
0x68: {  	_ =	shalt  }
0x69: {  	_ =	shalt  }
0x6a: {  	_ =	shalt  }
0x6b: {  	_ =	shalt  }
0x6c: {  	_ =	shalt  }
0x6d: {  	_ =	shalt  }
0x6e: {  	_ =	shalt  }
0x6f: {  	_ =	shalt  }
0x70: {  	_ =	shalt  }
0x71: {  	_ =	shalt  }
0x72: {  	_ =	shalt  }
0x73: {  	_ =	shalt  }
0x74: {  	_ =	shalt  }
0x75: {  	_ =	shalt  }
0x76: {  	_ =	shalt  }
0x77: {  	_ =	shalt  }
0x78: {  	_ =	shalt  }
0x79: {  	_ =	shalt  }
0x7a: {  	_ =	shalt  }
0x7b: {  	_ =	shalt  }
0x7c: {  	_ =	shalt  }
0x7d: {  	_ =	shalt  }
0x7e: {  	_ =	shalt  }
0x7f: {  	_ =	shalt  }
0x80: {  	_ =	shalt  }
0x81: {  	_ =	shalt  }
0x82: {  	_ =	shalt  }
0x83: {  	_ =	shalt  }
0x84: {  	_ =	shalt  }
0x85: {  	_ =	shalt  }
0x86: {  	_ =	shalt  }
0x87: {  	_ =	shalt  }
.Lfunc_end0:
.L_simem_size_0:
called_computation.1_lowered:
.L_overlay_start_0:
0x88: {  	s2 =	sld [smem:$0x3FD9]  }
0x89: {  	s3 =	sld [smem:$0x3FFE];
	_ =	sdelay $0x1  }
0x8a: {  	s1 =	srdreg.scid  }
0x8b: {  	s0 =	sand.u32 $0x1, s1  }
0x8c: {  	s17 =	sshll.u32 s0, $0xA;
	s2 =	sadd.s32 s3, s2  }
0x8d: {  	s2 =	sadd.s32 s2, s17  }
0x8e: {  	[smem:$0x3FC2] =	sst s2  }
0x8f: {  	_ = 	snop  }
0x90: {  	s2 =	sld [smem:$0x3FD0];
	(tm) =	ssettm $0x1  }
0x91: {  	s18 =	sld [smem:$0x3FFB];
	_ =	sdelay $0x3  }
0x92: {  	_ =	strace s18  }
0x93: {  	s3 =	sld [smem:$0x3FFC];
	_ =	sdelay $0x3  }
0x94: {  	_ =	strace s3  }
0x95: {  	s3 =	sld [smem:$0x3FFD];
	_ =	sdelay $0x3  }
0x96: {  	_ =	strace s3  }
0x97: {  	_ =	strace $0x8FFFFFFF  }
0x98: {  	s19 =	sld [smem:$0x3FDB];
	_ =	sdelay $0x1  }
0x99: {  	s4 =	simm.s32 $_scs_section_size  }
0x9a: {  	s5 =	simm.s32 $_size__tile_overlayer_lowered;
	s6 =	simm.s32 $_tile_overlayer_lowered  }
0x9b: {  	s22 =	simm.s32 $0x1BFF;
	s21 =	sshll.u32 s6, $0x1;
	s3 =	sadd.s32 s4, s19  }
0x9c: {  	s7 =	simm.s32 $0x0;
	s20 =	sshll.u32 s5, $0x1;
	s5 =	sadd.s32 s21, s3  }
0x9d: {  	[timem:s7], [sflag:s22] =	dma.local [hbm:s5], s20  }
0x9e: {  	_ =	swait.ge [sflag:s22], s20  }
0x9f: {  	s4 =	ssub.s32 $0x0, s20;
	[sflag:s22] =	ssyncset.done $0x0  }
0xa0: {  	[sflag:s22] =	ssyncadd.s32 s4;
	_ =	sdelay $0x1  }
0xa1: {  	s23 =	simm.s32 $0x1B8B  }
0xa2: {  	_ =	swait.ge [sflag:s23], $0x1  }
0xa3: {  	[sflag:s23] =	ssyncset.done $0x0  }
0xa4: {  	s25 =	simm.s32 $0x1B8E;
	s24 =	sld [smem:$0x3FFE];
	[sflag:s23] =	ssyncadd.s32 $0xFFFFFFFF  }
0xa5: {  	s26 =	simm.s32 $execute0_lowered;
	[smem:$0x3FD2] =	sst s25  }
0xa6: {  	s5 =	sshll.u32 s26, $0x1;
	_ =	strace $0x80000049;
	[dreg:$0x1] =	wrdreg $0xFFFFFFFF  }
0xa7: {  	s28 =	simm.s32 $_size_execute0_lowered;
	s3 =	sadd.s32 s3, s5;
	[dreg:$0x0] =	wrdreg $0x0  }
0xa8: {  	s5 =	sshll.u32 s28, $0x1;
	[dreg:$0x2] =	wrdreg s3  }
0xa9: {  	[dreg:$0x3] =	wrdreg s5  }
0xaa: {  	[dreg:$0x4] =	wrdreg $0xC0  }
0xab: {  	_ =	task [dreg:s7], $0x5FFFF  }
0xac: {  	[dreg:$0x1] =	wrdreg $0xFFFFFFFF  }
0xad: {  	[dreg:$0x0] =	wrdreg $0x60  }
0xae: {  	[dreg:$0x2] =	wrdreg s24  }
0xaf: {  	[dreg:$0x3] =	wrdreg s2  }
0xb0: {  	[dreg:$0x4] =	wrdreg $0xA9000  }
0xb1: {  	[dreg:$0x5] =	wrdreg $0x9  }
0xb2: {  	_ =	task.clear_ibuf [dreg:s7], $0x6FFFF;
	_ =	strace $0x90000049  }
0xb3: {  	s29 =	simm.s32 $0x9;
	_ =	strace $0x8000004B  }
0xb4: {  	_ =	swait.ge [sflag:s29], $0x1  }
0xb5: {  	[sflag:s29] =	ssyncadd.s32 $0xFFFFFFFF  }
0xb6: {  	_ =	strace $0x9000004B  }
0xb7: {  	_ =	sfence  }
0xb8: {  	s30 =	sld [smem:$0x0];
	_ =	sdelay $0x2  }
0xb9: {  	s31 =	sshll.u32 s1, $0xD;
	s1 =	sshrl.u32 s1, $0x2  }
0xba: {  	s3 =	sand.u32 $0x4000, s31;
	s1 =	sadd.s32 s1, s30  }
0xbb: {  	s0 =	sor.u32 s3, s0;
	s1 =	sshll.u32 s1, $0x11  }
0xbc: {  	s0 =	sor.u32 s1, s0  }
0xbd: {  	s0 =	sadd.s32 $0x8F2B, s0  }
0xbe: {  	[sflag:s0] =	ssyncadd.remote.s32 $0x1  }
0xbf: {  	_ =	sfence.sel $0xFFFF  }
0xc0: {  	[dreg:$0x0] =	wrdreg $0xFFFFFFFF;
	(pc) =	sbr.abs _section_cstart, $3  }
0xc1: {  	[dreg:$0x1] =	wrdreg $0xFFFFFFFF  }
0xc2: {  	_ =	task.clear_ibuf [dreg:s7], $0x2FFFF;
	_ =	strace $0x9FFFFFFF  }
0xc3: {  	(tm) =	ssettm $0x7FFFFFFF  }
tec
execute0_lowered:
.L_overlay_start_1:
0x0: {  	(tag) =	ssettag $0x1  }
0x1: {  	s1 =	rddreg [dreg:$0x0]  }
0x2: {  	s0 =	srdreg.scid;
	s2 =	rddreg [dreg:$0x1]  }
0x3: {  	s14 =	stileid.u32;
	s3 =	rddreg [dreg:$0x2]  }
0x4: {  	s28 =	simm.s32 $0x5;
	s29 =	simm.s32 $0x80;
	s30 =	simm.s32 $0x2900  }
0x5: {  	s31 =	simm.s32 $0x2800;
	s0 =	sand.u32 $0x1, s0;
	s9 =	smul.u32 $0x50000, s14  }
0x6: {  	s6 =	sadd.s32 $0xD400, s1;
	s7 =	sadd.s32 $0x2600, s1;
	s13 =	smul.u32 $0x14000, s14  }
0x7: {  	s21 =	sshll.u32 s14, $0x6;
	s4 =	sshll.u32 s0, $0x4;
	s11 =	ssub.s32 $0x2, s0  }
0x8: {  	s0 =	smul.u32 $0x140000, s0;
	s5 =	sor.u32 s14, s4;
	s4 =	simm.s32 $0x0  }
0x9: {  	s12 =	sshrl.u32 s11, $0x1;
	s9 =	sshrl.u32 s9, $0x2;
	s24 =	sadd.s32 $0x4000, s13  }
0xa: {  	s20 =	sadd.s32 $0x8000, s13;
	s16 =	sadd.s32 $0xC000, s13;
	s5 =	smul.u32 $0x2800, s5  }
0xb: {  	[smem:$0x7FF] =	sst s4;
	s11 =	ssub.s32 s11, s12;
	s18 =	sadd.s32 s9, s3  }
0xc: {  	s9 =	sor.u32 $0x1C05, s21;
	s22 =	sadd.s32 s0, s13;
	s12 =	sadd.s32 s0, s24  }
0xd: {  	s15 =	sadd.s32 s0, s20;
	s13 =	sadd.s32 $0x10000, s13;
	s17 =	sadd.s32 s0, s16  }
0xe: {  	_ =	strace $0x8000004A;
	s23 =	sshrl.u32 s22, $0x3;
	s11 =	smax.u32 s11, $0x1  }
0xf: {  	s14 =	sadd.s32 $0x4000, s18;
	s25 =	sadd.s32 $0x8000, s18;
	s26 =	sadd.s32 $0xC000, s18  }
0x10: {  	s15 =	sshrl.u32 s15, $0x3;
	s0 =	sadd.s32 s0, s13;
	s21 =	sshrl.u32 s17, $0x3  }
0x11: {  	[dreg:$0x4] =	wrdreg s18;
	s22 =	sadd.s32 $0x10000, s18;
	s13 =	sadd.s32 s13, s3  }
0x12: {  	s8 =	sshrl.u32 s5, $0x3;
	[dreg:$0x7] =	wrdreg s11;
	s0 =	sshrl.u32 s0, $0x3  }
0x13: {  	s11 =	sshrl.u32 s14, $0x3;
	s25 =	sshrl.u32 s25, $0x3;
	s26 =	sshrl.u32 s26, $0x3  }
0x14: {  	s14 =	simm.s32 $0x0;
	s10 =	sadd.s32 s8, s1;
	[dreg:$0xc] =	wrdreg s11  }
0x15: {  	s1 =	sadd.s32 $0x35400, s1;
	s19 =	sadd.s32 s2, s8;
	[dreg:$0xd] =	wrdreg s25  }
0x16: {  	[dreg:$0xe] =	wrdreg s26;
	s25 =	sshrl.u32 s13, $0x3;
	s13 =	simm.s32 $0x2  }
0x17: {  	s11 =	simm.s32 $0x4;
	s10 =	sadd.s32 $0x3400, s10;
	s8 =	sadd.s32 s1, s23  }
0x18: {  	s15 =	sadd.s32 s1, s15;
	s0 =	sadd.s32 s1, s0;
	[dreg:$0x5] =	wrdreg s10  }
0x19: {  	s23 =	sadd.s32 s24, s3;
	s24 =	sadd.s32 s16, s3;
	[dreg:$0x6] =	wrdreg s8  }
0x1a: {  	s26 =	sadd.s32 $0x10, s19;
	s8 =	sshrl.u32 s12, $0x3;
	[dreg:$0x9] =	wrdreg s15  }
0x1b: {  	s15 =	sadd.s32 s1, s21;
	[dreg:$0xb] =	wrdreg s0;
	s21 =	sshrl.u32 s22, $0x3  }
0x1c: {  	s22 =	sshrl.u32 s23, $0x3;
	s24 =	sshrl.u32 s24, $0x3;
	s0 =	simm.s32 $0x2880  }
0x1d: {  	s10 =	simm.s32 $0x1;
	s8 =	sadd.s32 s1, s8;
	[dreg:$0xa] =	wrdreg s15  }
0x1e: {  	s12 =	simm.s32 $0x3;
	[dreg:$0x8] =	wrdreg s8;
	s8 =	sadd.s32 s20, s3  }
0x1f: {  	s1 =	simm.s32 $0x6900;
	s20 =	smov.u32 s19;
	s23 =	sshrl.u32 s8, $0x3  }
.LBB2_1:
0x20: {  	s8 =	rddreg [dreg:$0x4]  }
0x21: {  	s15 =	sshrl.u32 s8, $0x3  }
0x22: {  	[spmem:s15], [sflag:s9] =	dma.local [hbm:s7], $0x800  }
0x23: {  	_ =	swait.ge [sflag:s28], $0x800  }
0x24: {  	[sflag:s28] =	ssyncset.done $0x0  }
0x25: {  	s19 =	rddreg [dreg:$0xc];
	[sflag:s28] =	ssyncadd.s32 $0xFFFFF800  }
0x26: {  	[spmem:s19], [sflag:s9] =	dma.local [hbm:s7], $0x800  }
0x27: {  	_ =	swait.ge [sflag:s28], $0x800  }
0x28: {  	[sflag:s28] =	ssyncset.done $0x0  }
0x29: {  	s16 =	rddreg [dreg:$0xd];
	[sflag:s28] =	ssyncadd.s32 $0xFFFFF800  }
0x2a: {  	[spmem:s16], [sflag:s9] =	dma.local [hbm:s7], $0x800  }
0x2b: {  	_ =	swait.ge [sflag:s28], $0x800  }
0x2c: {  	[sflag:s28] =	ssyncset.done $0x0  }
0x2d: {  	s17 =	rddreg [dreg:$0xe];
	[sflag:s28] =	ssyncadd.s32 $0xFFFFF800  }
0x2e: {  	[spmem:s17], [sflag:s9] =	dma.local [hbm:s7], $0x800  }
0x2f: {  	_ =	swait.ge [sflag:s28], $0x800  }
0x30: {  	[sflag:s28] =	ssyncset.done $0x0  }
0x31: {  	[sflag:s28] =	ssyncadd.s32 $0xFFFFF800  }
0x32: {  	[spmem:s21], [sflag:s9] =	dma.local [hbm:s7], $0x800  }
0x33: {  	_ =	swait.ge [sflag:s28], $0x800  }
0x34: {  	[sflag:s28] =	ssyncset.done $0x0  }
0x35: {  	s18 =	rddreg [dreg:$0x5];
	[sflag:s28] =	ssyncadd.s32 $0xFFFFF800  }
0x36: {  	[tilespmem:s4], [sflag:$0x5] =	stream.linear.gather [hbm4b:s18+s4], $0x2800, $0x38;
	[tilespmem:$0x1E900] =	vst v63  }
0x37: {  	_ =	swait.ge [sflag:s28], $0x2800  }
0x38: {  	[sflag:s28] =	ssyncset.done $0x0  }
0x39: {  	[sflag:s28] =	ssyncadd.s32 $0xFFFFD800  }
0x3a: {  	[bflag:$0x0] =	sbarrier.arrive $0xFFFF  }
0x3b: {  	[tilespmem:s30], [sflag:$0x1] =	stream.indirect.gather [hbm4b:s6+s29], $0x80, s4, s29, $0xb8;
	[tilespmem:$0x1E900] =	vst v63  }
0x3c: {  	_ = 	snop  }
0x3d: {  	[tilespmem:s31], [sflag:$0x3] =	stream.linear.gather [hbm4b:s20+s4], $0x80, $0x38;
	[tilespmem:$0x1E900] =	vst v63  }
0x3e: {  	_ = 	snop  }
0x3f: {  	[tilespmem:s1], [sflag:$0x2] =	stream.indirect.gather [hbm4b:s6+s29], $0x80, s29, s29, $0xb8;
	[tilespmem:$0x1E900] =	vst v63  }
0x40: {  	_ = 	snop  }
0x41: {  	[tilespmem:s0], [sflag:$0x4] =	stream.linear.gather [hbm4b:s26+s4], $0x80, $0x38;
	[tilespmem:$0x1E900] =	vst v63  }
0x42: {  	_ =	swait.ge [sflag:s10], $0x4000  }
0x43: {  	[sflag:s10] =	ssyncset.done $0x0  }
0x44: {  	[sflag:s10] =	ssyncadd.s32 $0xFFFFC000  }
0x45: {  	_ =	swait.ge [sflag:s12], $0x80  }
0x46: {  	s19 =	simm.s32 $0x100;
	[sflag:s12] =	ssyncset.done $0x0  }
0x47: {  	s16 =	sand.u32 $0x7C00, s19;
	[sflag:s12] =	ssyncadd.s32 $0xFFFFFF80  }
0x48: {  	[spmem:s3] =	stream.indirect.scatter.add.f32 [tilespmem:s30], [sflag:$0x5], $0x80, s31, s29, $0xb8;
	[tilespmem:$0x1E900] =	vst v63  }
0x49: {  	s8 =	sand.u32 $0x300, s19;
	s17 =	sadd.s32 s5, s16;
	_ =	swait.ge [sflag:s28], $0x4000  }
0x4a: {  	s8 =	sor.u32 s8, s17;
	[sflag:s28] =	ssyncset.done $0x0  }
0x4b: {  	s16 =	simm.s32 $0x100;
	s8 =	sshrl.u32 s8, $0x3;
	[sflag:s28] =	ssyncadd.s32 $0xFFFFC000  }
0x4c: {  	[tilespmem:s30], [sflag:$0x1] =	stream.indirect.gather [hbm4b:s6+s29], $0x80, s16, s29, $0xb8;
	[tilespmem:$0x1E900] =	vst v63  }
0x4d: {  	s8 =	sadd.s32 s2, s8  }
0x4e: {  	[tilespmem:s31], [sflag:$0x3] =	stream.linear.gather [hbm4b:s8+s4], $0x80, $0x38;
	[tilespmem:$0x1E900] =	vst v63  }
0x4f: {  	_ =	swait.ge [sflag:s13], $0x4000  }
0x50: {  	[sflag:s13] =	ssyncset.done $0x0  }
0x51: {  	[sflag:s13] =	ssyncadd.s32 $0xFFFFC000  }
0x52: {  	_ =	swait.ge [sflag:s11], $0x80  }
0x53: {  	s8 =	simm.s32 $0x180;
	[sflag:s11] =	ssyncset.done $0x0  }
0x54: {  	s19 =	sand.u32 $0x7C00, s8;
	[sflag:s11] =	ssyncadd.s32 $0xFFFFFF80  }
0x55: {  	[spmem:s3] =	stream.indirect.scatter.add.f32 [tilespmem:s1], [sflag:$0x5], $0x80, s0, s29, $0xb8;
	[tilespmem:$0x1E900] =	vst v63  }
0x56: {  	s8 =	sand.u32 $0x380, s8;
	s17 =	sadd.s32 s5, s19;
	_ =	swait.ge [sflag:s28], $0x4000  }
0x57: {  	s18 =	simm.s32 $0x180;
	s8 =	sor.u32 s8, s17;
	[sflag:s28] =	ssyncset.done $0x0  }
0x58: {  	s17 =	simm.s32 $0x280;
	s8 =	sshrl.u32 s8, $0x3;
	[sflag:s28] =	ssyncadd.s32 $0xFFFFC000  }
0x59: {  	[tilespmem:s1], [sflag:$0x2] =	stream.indirect.gather [hbm4b:s6+s29], $0x80, s18, s29, $0xb8;
	[tilespmem:$0x1E900] =	vst v63  }
.LBB2_2:
0x5a: {  	p0 =	sne.s32 s17, $0x2780;
	s8 =	sadd.s32 s2, s8;
	s16 =	sadd.s32 $0x100, s16  }
0x5b: {  	[tilespmem:s0], [sflag:$0x4] =	stream.linear.gather [hbm4b:s8+s4], $0x80, $0x38;
	[tilespmem:$0x1E900] =	vst v63  }
0x5c: {  	s8 =	smov.u32 s17;
	s17 =	sadd.s32 $0x100, s17;
	_ =	swait.ge [sflag:s10], $0x4000  }
0x5d: {  	[sflag:s10] =	ssyncset.done $0x0  }
0x5e: {  	[sflag:s10] =	ssyncadd.s32 $0xFFFFC000  }
0x5f: {  	_ =	swait.ge [sflag:s12], $0x80  }
0x60: {  	[sflag:s12] =	ssyncset.done $0x0  }
0x61: {  	s18 =	sadd.s32 $0xFFFFFF80, s8;
	[sflag:s12] =	ssyncadd.s32 $0xFFFFFF80  }
0x62: {  	[spmem:s3] =	stream.indirect.scatter.add.f32 [tilespmem:s30], [sflag:$0x5], $0x80, s31, s29, $0xb8;
	[tilespmem:$0x1E900] =	vst v63  }
0x63: {  	s19 =	sand.u32 $0x7C00, s18;
	_ =	swait.ge [sflag:s28], $0x4000  }
0x64: {  	s18 =	sand.u32 $0x300, s18;
	s19 =	sadd.s32 s5, s19;
	[sflag:s28] =	ssyncset.done $0x0  }
0x65: {  	s18 =	sor.u32 s18, s19;
	[sflag:s28] =	ssyncadd.s32 $0xFFFFC000  }
0x66: {  	[tilespmem:s30], [sflag:$0x1] =	stream.indirect.gather [hbm4b:s6+s29], $0x80, s16, s29, $0xb8;
	[tilespmem:$0x1E900] =	vst v63  }
0x67: {  	s18 =	sshrl.u32 s18, $0x3  }
0x68: {  	s18 =	sadd.s32 s2, s18  }
0x69: {  	[tilespmem:s31], [sflag:$0x3] =	stream.linear.gather [hbm4b:s18+s4], $0x80, $0x38;
	[tilespmem:$0x1E900] =	vst v63  }
0x6a: {  	_ =	swait.ge [sflag:s13], $0x4000  }
0x6b: {  	[sflag:s13] =	ssyncset.done $0x0  }
0x6c: {  	[sflag:s13] =	ssyncadd.s32 $0xFFFFC000  }
0x6d: {  	_ =	swait.ge [sflag:s11], $0x80  }
0x6e: {  	[sflag:s11] =	ssyncset.done $0x0  }
0x6f: {  	s18 =	sand.u32 $0x7C00, s8;
	[sflag:s11] =	ssyncadd.s32 $0xFFFFFF80  }
0x70: {  	[spmem:s3] =	stream.indirect.scatter.add.f32 [tilespmem:s1], [sflag:$0x5], $0x80, s0, s29, $0xb8;
	[tilespmem:$0x1E900] =	vst v63  }
.Ltmp0:
0x71: {  	_ = 	snop;
	(pc) =	sbr.rel @p0 .LBB2_2-.Ltmp0, $4  }
0x72: {  	s8 =	sand.u32 $0x380, s8;
	s18 =	sadd.s32 s5, s18;
	_ =	swait.ge [sflag:s28], $0x4000  }
0x73: {  	s8 =	sor.u32 s8, s18;
	[sflag:s28] =	ssyncset.done $0x0  }
0x74: {  	s18 =	sadd.s32 $0x80, s16;
	s8 =	sshrl.u32 s8, $0x3;
	[sflag:s28] =	ssyncadd.s32 $0xFFFFC000  }
0x75: {  	[tilespmem:s1], [sflag:$0x2] =	stream.indirect.gather [hbm4b:s6+s29], $0x80, s18, s29, $0xb8;
	[tilespmem:$0x1E900] =	vst v63  }
0x76: {  	s8 =	sadd.s32 s2, s8  }
0x77: {  	[tilespmem:s0], [sflag:$0x4] =	stream.linear.gather [hbm4b:s8+s4], $0x80, $0x38;
	[tilespmem:$0x1E900] =	vst v63  }
0x78: {  	_ =	swait.ge [sflag:s10], $0x4000  }
0x79: {  	[sflag:s10] =	ssyncset.done $0x0  }
0x7a: {  	[sflag:s10] =	ssyncadd.s32 $0xFFFFC000  }
0x7b: {  	_ =	swait.ge [sflag:s12], $0x80  }
0x7c: {  	[sflag:s12] =	ssyncset.done $0x0  }
0x7d: {  	[sflag:s12] =	ssyncadd.s32 $0xFFFFFF80  }
0x7e: {  	[spmem:s3] =	stream.indirect.scatter.add.f32 [tilespmem:s30], [sflag:$0x5], $0x80, s31, s29, $0xb8;
	[tilespmem:$0x1E900] =	vst v63  }
0x7f: {  	_ =	swait.ge [sflag:s28], $0x4000  }
0x80: {  	[sflag:s28] =	ssyncset.done $0x0  }
0x81: {  	[sflag:s28] =	ssyncadd.s32 $0xFFFFC000  }
0x82: {  	_ =	swait.ge [sflag:s13], $0x4000  }
0x83: {  	[sflag:s13] =	ssyncset.done $0x0  }
0x84: {  	[sflag:s13] =	ssyncadd.s32 $0xFFFFC000  }
0x85: {  	_ =	swait.ge [sflag:s11], $0x80  }
0x86: {  	[sflag:s11] =	ssyncset.done $0x0  }
0x87: {  	[sflag:s11] =	ssyncadd.s32 $0xFFFFFF80  }
0x88: {  	[spmem:s3] =	stream.indirect.scatter.add.f32 [tilespmem:s1], [sflag:$0x5], $0x80, s0, s29, $0xb8;
	[tilespmem:$0x1E900] =	vst v63  }
0x89: {  	_ =	swait.ge [sflag:s28], $0x4000  }
0x8a: {  	[sflag:s28] =	ssyncset.done $0x0  }
0x8b: {  	[sflag:s28] =	ssyncadd.s32 $0xFFFFC000  }
0x8c: {  	[bflag:$0x0] =	sbarrier.arrive $0xFFFF  }
0x8d: {  	s19 =	rddreg [dreg:$0x6]  }
0x8e: {  	[hbm:s19], [sflag:s9] =	dma.local [spmem:s15], $0x800  }
0x8f: {  	_ =	swait.ge [sflag:s28], $0x800  }
0x90: {  	[sflag:s28] =	ssyncset.done $0x0  }
0x91: {  	s15 =	rddreg [dreg:$0x8];
	[sflag:s28] =	ssyncadd.s32 $0xFFFFF800  }
0x92: {  	[hbm:s15], [sflag:s9] =	dma.local [spmem:s22], $0x800  }
0x93: {  	_ =	swait.ge [sflag:s28], $0x800  }
0x94: {  	[sflag:s28] =	ssyncset.done $0x0  }
0x95: {  	s16 =	rddreg [dreg:$0x9];
	[sflag:s28] =	ssyncadd.s32 $0xFFFFF800  }
0x96: {  	[hbm:s16], [sflag:s9] =	dma.local [spmem:s23], $0x800  }
0x97: {  	_ =	swait.ge [sflag:s28], $0x800  }
0x98: {  	[sflag:s28] =	ssyncset.done $0x0  }
0x99: {  	s17 =	rddreg [dreg:$0xa];
	[sflag:s28] =	ssyncadd.s32 $0xFFFFF800  }
0x9a: {  	[hbm:s17], [sflag:s9] =	dma.local [spmem:s24], $0x800  }
0x9b: {  	_ =	swait.ge [sflag:s28], $0x800  }
0x9c: {  	[sflag:s28] =	ssyncset.done $0x0  }
0x9d: {  	s18 =	rddreg [dreg:$0xb];
	[sflag:s28] =	ssyncadd.s32 $0xFFFFF800  }
0x9e: {  	[hbm:s18], [sflag:s9] =	dma.local [spmem:s25], $0x800  }
0x9f: {  	_ =	swait.ge [sflag:s28], $0x800  }
0xa0: {  	s14 =	sadd.s32 $0x1, s14;
	s19 =	rddreg [dreg:$0x7]  }
0xa1: {  	p0 =	sne.s32 s14, s19  }
.Ltmp1:
0xa2: {  	_ = 	snop;
	(pc) =	sbr.rel @p0 .LBB2_1-.Ltmp1, $3  }
0xa3: {  	_ =	sdelay $0x1  }
0xa4: {  	[sflag:s28] =	ssyncset.done $0x0  }
0xa5: {  	[sflag:s28] =	ssyncadd.s32 $0xFFFFF800  }
0xa6: {  	_ =	sfence.sel $0x180000  }
0xa7: {  	[bflag:$0x0] =	sbarrier.arrive $0xFFFF  }
0xa8: {  	_ =	strace $0x9000004A  }
0xa9: {  	s0 =	stileid.u32;
	[bflag:$0x2] =	sbarrier.arrive $0xFFFF  }
0xaa: {  	p0 =	sne.s32 s0, $0x0;
	s0 =	rddreg [dreg:$0x3]  }
0xab: {  	s0 =	sadd.s32 @!p0 $0x100000, s0  }
0xac: {  	[sflag:s0] =	ssyncadd.tile.s32 @!p0 $0x1;
	_ =	shalt  }
.Lfunc_end2:
_tile_overlayer_lowered:
.L_overlay_start_2:
0xad: {  	(tag) =	ssettag $0x2  }
0xae: {  	s0 =	rddreg [dreg:$0x0];
	s2 =	stileid.u32  }
0xaf: {  	s1 =	rddreg [dreg:$0x1];
	p0 =	sne.s32 s2, $0x0  }
0xb0: {  	s3 =	rddreg [dreg:$0x2];
	[bflag:$0x3] =	sbarrier.arrive $0xFFFF;
	s2 =	simm.s32 @!p0 $0x1C05  }
0xb1: {  	[timem:s3], [sflag:s2] =	dma.local @!p0 [hbm:s0], s1  }
0xb2: {  	s0 =	simm.s32 @!p0 $0x5  }
0xb3: {  	_ =	swait.ge @!p0 [sflag:s0], s1  }
0xb4: {  	s1 =	ssub.s32 @!p0 $0x0, s1;
	[sflag:s0] =	ssyncset.done @!p0 $0x0  }
0xb5: {  	[sflag:s0] =	ssyncadd.s32 @!p0 s1  }
0xb6: {  	[bflag:$0x3] =	sbarrier.arrive $0xFFFF  }
0xb7: {  	_ =	shalt  }

// kernel: kernel.14.cloned.1.call-start
scs
__scs_entry_jumppad:
0x0: {  	(pc) =	sbr.rel $0x88, $3  }
0x1: {  	(tag) =	ssettag $0x0;
	lr =	simm.s32 $0x1  }
0x2: {  	[smem:$0x3F9B] =	sst lr;
	_ =	strace $0xD0000000  }
0x3: {  	_ = 	snop  }
0x4: {  	_ = 	snop  }
0x5: {  	_ = 	snop  }
0x6: {  	_ = 	snop  }
0x7: {  	_ = 	snop  }
__scs_overlays_trampoline_lowered:
0x8: {  	[smem:$0x3FAA] =	sst s0  }
0x9: {  	[smem:$0x3FAB] =	sst s1  }
0xa: {  	[smem:$0x3FAC] =	sst s2  }
0xb: {  	[smem:$0x3FAD] =	sst s3  }
0xc: {  	[smem:$0x3FAE] =	sst s4  }
0xd: {  	[smem:$0x3FAF] =	sst s5  }
0xe: {  	[smem:$0x3FB0] =	sst s6  }
0xf: {  	[smem:$0x3FB1] =	sst s7  }
0x10: {  	[smem:$0x3FB2] =	sst s8  }
0x11: {  	[smem:$0x3FB3] =	sst s9;
	s0 =	simm.s32 @!p0 $0x0  }
0x12: {  	s1 =	sld [smem:$0x3F99];
	s0 =	simm.s32 @p0 $0x1  }
0x13: {  	[smem:$0x3FB4] =	sst s0;
	s0 =	simm.s32 @!p1 $0x0  }
0x14: {  	s2 =	sld [smem:$0x3F98];
	s0 =	simm.s32 @p1 $0x1  }
0x15: {  	[smem:$0x3FB5] =	sst s0;
	s0 =	simm.s32 @!p2 $0x0  }
0x16: {  	s3 =	sld [smem:$0x3FDB];
	s0 =	simm.s32 @p2 $0x1  }
0x17: {  	s4 =	simm.s32 $0x1BF5;
	[smem:$0x3FB7] =	sst s0  }
0x18: {  	s0 =	sld [smem:$0x3F9A];
	_ =	swait.ge [sflag:s4], $0x0  }
0x19: {  	s7 =	sld [smem:$0x3F9B]  }
0x1a: {  	s8 =	sadd.s32 $0xFFFFE003, lr  }
0x1b: {  	s9 =	sadd.s32 $0xFFFFFEF7, lr;
	s5 =	simm.s32 $0xFFFFFFFF;
	p2 =	slt.u32 s8, $0xFFFFF086  }
0x1c: {  	p1 =	slt.u32 s9, $0xF7A;
	s5 =	simm.s32 @!p2 $0x0  }
0x1d: {  	s5 =	simm.s32 @p1 $0x1;
	p0 =	seq.s32 s7, s2  }
0x1e: {  	s7 =	smul.u32 @!p0 $0xF7A, s2;
	p2 =	seq.s32 @!p0 s5, $0x0  }
0x1f: {  	s9 =	smul.u32 $0xF7A, s1;
	s8 =	simm.s32 @!p0 $0x1BF5;
	p2 =	por !p2, p0  }
0x20: {  	[sflag:s8] =	ssyncset.s32 @!p0 $0xFFFFF086;
	s6 =	sadd.s32 @!p0 s3, s7;
	s7 =	simm.s32 @!p0 $0x108  }
0x21: {  	s3 =	sadd.s32 s3, s9;
	s6 =	sadd.s32 @!p0 $0x88, s6;
	s7 =	simm.s32 @p2 $0x1082  }
0x22: {  	[simem:s7], [sflag:s8] =	dma.local @!p0 [hbm:s6], $0xF7A  }
0x23: {  	s9 =	sor.u32 $0xD0000000, s2;
	s6 =	simm.s32 $0x108;
	_ =	swait.ge @!p0 [sflag:s8], $0x0  }
0x24: {  	s3 =	sadd.s32 $0x88, s3;
	s6 =	simm.s32 @!p1 $0x1082;
	[sflag:s4] =	ssyncset.s32 $0xFFFFF086  }
0x25: {  	[simem:s6], [sflag:s4] =	dma.local [hbm:s3], $0xF7A  }
0x26: {  	[smem:$0x3F9B] =	sst s1;
	(tag) =	ssettag s2;
	_ =	strace s9  }
0x27: {  	s1 =	sld [smem:$0x3FAB]  }
0x28: {  	s2 =	sld [smem:$0x3FAC]  }
0x29: {  	s4 =	sld [smem:$0x3FAE]  }
0x2a: {  	p0 =	seq.s32 s5, $0x0;
	s5 =	sld [smem:$0x3FAF]  }
0x2b: {  	s6 =	sld [smem:$0x3FB0]  }
0x2c: {  	s7 =	sld [smem:$0x3FB1]  }
0x2d: {  	s3 =	simm.s32 $0x108;
	s8 =	sld [smem:$0x3FB2]  }
0x2e: {  	s3 =	simm.s32 @!p0 $0x1082;
	s9 =	sld [smem:$0x3FB3]  }
0x2f: {  	lr =	sadd.s32 s0, s3;
	s0 =	sld [smem:$0x3FAA]  }
0x30: {  	s3 =	sld [smem:$0x3FAD]  }
0x31: {  	[smem:$0x3FB6] =	sst s10  }
0x32: {  	s10 =	sld [smem:$0x3FB4];
	_ =	sdelay $0x3  }
0x33: {  	p0 =	seq.s32 s10, $0x1;
	s10 =	sld [smem:$0x3FB6];
	_ =	sdelay $0x3  }
0x34: {  	[smem:$0x3FB6] =	sst s10  }
0x35: {  	s10 =	sld [smem:$0x3FB5];
	_ =	sdelay $0x3  }
0x36: {  	p1 =	seq.s32 s10, $0x1;
	s10 =	sld [smem:$0x3FB6];
	_ =	sdelay $0x3  }
0x37: {  	[smem:$0x3FB6] =	sst s10  }
0x38: {  	s10 =	sld [smem:$0x3FB7]  }
0x39: {  	_ = 	snop;
	(pc) =	sbr.ind lr, $3  }
0x3a: {  	_ = 	snop  }
0x3b: {  	_ = 	snop  }
0x3c: {  	p2 =	seq.s32 s10, $0x1;
	s10 =	sld [smem:$0x3FB6]  }
0x3d: {  	_ =	shalt  }
0x3e: {  	_ =	shalt  }
0x3f: {  	_ =	shalt  }
0x40: {  	_ =	shalt  }
0x41: {  	_ =	shalt  }
0x42: {  	_ =	shalt  }
0x43: {  	_ =	shalt  }
0x44: {  	_ =	shalt  }
0x45: {  	_ =	shalt  }
0x46: {  	_ =	shalt  }
0x47: {  	_ =	shalt  }
0x48: {  	_ =	shalt  }
0x49: {  	_ =	shalt  }
0x4a: {  	_ =	shalt  }
0x4b: {  	_ =	shalt  }
0x4c: {  	_ =	shalt  }
0x4d: {  	_ =	shalt  }
0x4e: {  	_ =	shalt  }
0x4f: {  	_ =	shalt  }
0x50: {  	_ =	shalt  }
0x51: {  	_ =	shalt  }
0x52: {  	_ =	shalt  }
0x53: {  	_ =	shalt  }
0x54: {  	_ =	shalt  }
0x55: {  	_ =	shalt  }
0x56: {  	_ =	shalt  }
0x57: {  	_ =	shalt  }
0x58: {  	_ =	shalt  }
0x59: {  	_ =	shalt  }
0x5a: {  	_ =	shalt  }
0x5b: {  	_ =	shalt  }
0x5c: {  	_ =	shalt  }
0x5d: {  	_ =	shalt  }
0x5e: {  	_ =	shalt  }
0x5f: {  	_ =	shalt  }
0x60: {  	_ =	shalt  }
0x61: {  	_ =	shalt  }
0x62: {  	_ =	shalt  }
0x63: {  	_ =	shalt  }
0x64: {  	_ =	shalt  }
0x65: {  	_ =	shalt  }
0x66: {  	_ =	shalt  }
0x67: {  	_ =	shalt  }
0x68: {  	_ =	shalt  }
0x69: {  	_ =	shalt  }
0x6a: {  	_ =	shalt  }
0x6b: {  	_ =	shalt  }
0x6c: {  	_ =	shalt  }
0x6d: {  	_ =	shalt  }
0x6e: {  	_ =	shalt  }
0x6f: {  	_ =	shalt  }
0x70: {  	_ =	shalt  }
0x71: {  	_ =	shalt  }
0x72: {  	_ =	shalt  }
0x73: {  	_ =	shalt  }
0x74: {  	_ =	shalt  }
0x75: {  	_ =	shalt  }
0x76: {  	_ =	shalt  }
0x77: {  	_ =	shalt  }
0x78: {  	_ =	shalt  }
0x79: {  	_ =	shalt  }
0x7a: {  	_ =	shalt  }
0x7b: {  	_ =	shalt  }
0x7c: {  	_ =	shalt  }
0x7d: {  	_ =	shalt  }
0x7e: {  	_ =	shalt  }
0x7f: {  	_ =	shalt  }
0x80: {  	_ =	shalt  }
0x81: {  	_ =	shalt  }
0x82: {  	_ =	shalt  }
0x83: {  	_ =	shalt  }
0x84: {  	_ =	shalt  }
0x85: {  	_ =	shalt  }
0x86: {  	_ =	shalt  }
0x87: {  	_ =	shalt  }
.Lfunc_end0:
.L_simem_size_0:
called_computation.2_lowered:
.L_overlay_start_0:
0x88: {  	s2 =	sld [smem:$0x3FD9]  }
0x89: {  	s3 =	sld [smem:$0x3FFE];
	_ =	sdelay $0x1  }
0x8a: {  	s1 =	srdreg.scid  }
0x8b: {  	s0 =	sand.u32 $0x1, s1  }
0x8c: {  	s17 =	sshll.u32 s0, $0xA;
	s2 =	sadd.s32 s3, s2  }
0x8d: {  	s2 =	sadd.s32 s2, s17  }
0x8e: {  	[smem:$0x3FC2] =	sst s2  }
0x8f: {  	_ = 	snop  }
0x90: {  	s2 =	sld [smem:$0x3FD0];
	(tm) =	ssettm $0x1  }
0x91: {  	s18 =	sld [smem:$0x3FFB];
	_ =	sdelay $0x3  }
0x92: {  	_ =	strace s18  }
0x93: {  	s3 =	sld [smem:$0x3FFC];
	_ =	sdelay $0x3  }
0x94: {  	_ =	strace s3  }
0x95: {  	s3 =	sld [smem:$0x3FFD];
	_ =	sdelay $0x3  }
0x96: {  	_ =	strace s3  }
0x97: {  	_ =	strace $0x8FFFFFFF  }
0x98: {  	s19 =	sld [smem:$0x3FDB];
	_ =	sdelay $0x1  }
0x99: {  	s4 =	simm.s32 $_scs_section_size  }
0x9a: {  	s5 =	simm.s32 $_size__tile_overlayer_lowered;
	s6 =	simm.s32 $_tile_overlayer_lowered  }
0x9b: {  	s22 =	simm.s32 $0x1BFF;
	s21 =	sshll.u32 s6, $0x1;
	s3 =	sadd.s32 s4, s19  }
0x9c: {  	s7 =	simm.s32 $0x0;
	s20 =	sshll.u32 s5, $0x1;
	s5 =	sadd.s32 s21, s3  }
0x9d: {  	[timem:s7], [sflag:s22] =	dma.local [hbm:s5], s20  }
0x9e: {  	_ =	swait.ge [sflag:s22], s20  }
0x9f: {  	s4 =	ssub.s32 $0x0, s20;
	[sflag:s22] =	ssyncset.done $0x0  }
0xa0: {  	[sflag:s22] =	ssyncadd.s32 s4;
	_ =	sdelay $0x1  }
0xa1: {  	s23 =	simm.s32 $0x1B8B  }
0xa2: {  	_ =	swait.ge [sflag:s23], $0x1  }
0xa3: {  	[sflag:s23] =	ssyncset.done $0x0  }
0xa4: {  	s25 =	simm.s32 $0x1B8E;
	s24 =	sld [smem:$0x3FFE];
	[sflag:s23] =	ssyncadd.s32 $0xFFFFFFFF  }
0xa5: {  	s26 =	simm.s32 $execute0_lowered;
	[smem:$0x3FD2] =	sst s25  }
0xa6: {  	s5 =	sshll.u32 s26, $0x1;
	_ =	strace $0x8000004C;
	[dreg:$0x1] =	wrdreg $0xFFFFFFFF  }
0xa7: {  	s28 =	simm.s32 $_size_execute0_lowered;
	s3 =	sadd.s32 s3, s5;
	[dreg:$0x0] =	wrdreg $0x0  }
0xa8: {  	s5 =	sshll.u32 s28, $0x1;
	[dreg:$0x2] =	wrdreg s3  }
0xa9: {  	[dreg:$0x3] =	wrdreg s5  }
0xaa: {  	[dreg:$0x4] =	wrdreg $0xC0  }
0xab: {  	_ =	task [dreg:s7], $0x5FFFF  }
0xac: {  	[dreg:$0x1] =	wrdreg $0xFFFFFFFF  }
0xad: {  	[dreg:$0x0] =	wrdreg $0x60  }
0xae: {  	[dreg:$0x2] =	wrdreg s24  }
0xaf: {  	[dreg:$0x3] =	wrdreg s2  }
0xb0: {  	[dreg:$0x4] =	wrdreg $0xA9000  }
0xb1: {  	[dreg:$0x5] =	wrdreg $0x9  }
0xb2: {  	_ =	task.clear_ibuf [dreg:s7], $0x6FFFF;
	_ =	strace $0x9000004C  }
0xb3: {  	s29 =	simm.s32 $0x9;
	_ =	strace $0x8000004E  }
0xb4: {  	_ =	swait.ge [sflag:s29], $0x1  }
0xb5: {  	[sflag:s29] =	ssyncadd.s32 $0xFFFFFFFF  }
0xb6: {  	_ =	strace $0x9000004E  }
0xb7: {  	_ =	sfence  }
0xb8: {  	s30 =	sld [smem:$0x0];
	_ =	sdelay $0x2  }
0xb9: {  	s31 =	sshll.u32 s1, $0xD;
	s1 =	sshrl.u32 s1, $0x2  }
0xba: {  	s3 =	sand.u32 $0x4000, s31;
	s1 =	sadd.s32 s1, s30  }
0xbb: {  	s0 =	sor.u32 s3, s0;
	s1 =	sshll.u32 s1, $0x11  }
0xbc: {  	s0 =	sor.u32 s1, s0  }
0xbd: {  	s0 =	sadd.s32 $0x8F2B, s0  }
0xbe: {  	[sflag:s0] =	ssyncadd.remote.s32 $0x1  }
0xbf: {  	_ =	sfence.sel $0xFFFF  }
0xc0: {  	[dreg:$0x0] =	wrdreg $0xFFFFFFFF;
	(pc) =	sbr.abs _section_cstart, $3  }
0xc1: {  	[dreg:$0x1] =	wrdreg $0xFFFFFFFF  }
0xc2: {  	_ =	task.clear_ibuf [dreg:s7], $0x2FFFF;
	_ =	strace $0x9FFFFFFF  }
0xc3: {  	(tm) =	ssettm $0x7FFFFFFF  }
tec
execute0_lowered:
.L_overlay_start_1:
0x0: {  	(tag) =	ssettag $0x1  }
0x1: {  	s1 =	rddreg [dreg:$0x0]  }
0x2: {  	s0 =	srdreg.scid;
	s2 =	rddreg [dreg:$0x1]  }
0x3: {  	s14 =	stileid.u32;
	s3 =	rddreg [dreg:$0x2]  }
0x4: {  	s28 =	simm.s32 $0x5;
	s29 =	simm.s32 $0x80;
	s30 =	simm.s32 $0x2900  }
0x5: {  	s31 =	simm.s32 $0x2800;
	s0 =	sand.u32 $0x1, s0;
	s9 =	smul.u32 $0x50000, s14  }
0x6: {  	s6 =	sadd.s32 $0xD400, s1;
	s7 =	sadd.s32 $0x2600, s1;
	s13 =	smul.u32 $0x14000, s14  }
0x7: {  	s21 =	sshll.u32 s14, $0x6;
	s4 =	sshll.u32 s0, $0x4;
	s11 =	ssub.s32 $0x2, s0  }
0x8: {  	s0 =	smul.u32 $0x140000, s0;
	s5 =	sor.u32 s14, s4;
	s4 =	simm.s32 $0x0  }
0x9: {  	s12 =	sshrl.u32 s11, $0x1;
	s9 =	sshrl.u32 s9, $0x2;
	s24 =	sadd.s32 $0x4000, s13  }
0xa: {  	s20 =	sadd.s32 $0x8000, s13;
	s16 =	sadd.s32 $0xC000, s13;
	s5 =	smul.u32 $0x2800, s5  }
0xb: {  	[smem:$0x7FF] =	sst s4;
	s11 =	ssub.s32 s11, s12;
	s18 =	sadd.s32 s9, s3  }
0xc: {  	s9 =	sor.u32 $0x1C05, s21;
	s22 =	sadd.s32 s0, s13;
	s12 =	sadd.s32 s0, s24  }
0xd: {  	s15 =	sadd.s32 s0, s20;
	s13 =	sadd.s32 $0x10000, s13;
	s17 =	sadd.s32 s0, s16  }
0xe: {  	_ =	strace $0x8000004D;
	s23 =	sshrl.u32 s22, $0x3;
	s11 =	smax.u32 s11, $0x1  }
0xf: {  	s14 =	sadd.s32 $0x4000, s18;
	s25 =	sadd.s32 $0x8000, s18;
	s26 =	sadd.s32 $0xC000, s18  }
0x10: {  	s15 =	sshrl.u32 s15, $0x3;
	s0 =	sadd.s32 s0, s13;
	s21 =	sshrl.u32 s17, $0x3  }
0x11: {  	[dreg:$0x4] =	wrdreg s18;
	s22 =	sadd.s32 $0x10000, s18;
	s13 =	sadd.s32 s13, s3  }
0x12: {  	s8 =	sshrl.u32 s5, $0x3;
	[dreg:$0x7] =	wrdreg s11;
	s0 =	sshrl.u32 s0, $0x3  }
0x13: {  	s11 =	sshrl.u32 s14, $0x3;
	s25 =	sshrl.u32 s25, $0x3;
	s26 =	sshrl.u32 s26, $0x3  }
0x14: {  	s14 =	simm.s32 $0x0;
	s10 =	sadd.s32 s8, s1;
	[dreg:$0xc] =	wrdreg s11  }
0x15: {  	s1 =	sadd.s32 $0x35400, s1;
	s19 =	sadd.s32 s2, s8;
	[dreg:$0xd] =	wrdreg s25  }
0x16: {  	[dreg:$0xe] =	wrdreg s26;
	s25 =	sshrl.u32 s13, $0x3;
	s13 =	simm.s32 $0x2  }
0x17: {  	s11 =	simm.s32 $0x4;
	s10 =	sadd.s32 $0x3400, s10;
	s8 =	sadd.s32 s1, s23  }
0x18: {  	s15 =	sadd.s32 s1, s15;
	s0 =	sadd.s32 s1, s0;
	[dreg:$0x5] =	wrdreg s10  }
0x19: {  	s23 =	sadd.s32 s24, s3;
	s24 =	sadd.s32 s16, s3;
	[dreg:$0x6] =	wrdreg s8  }
0x1a: {  	s26 =	sadd.s32 $0x10, s19;
	s8 =	sshrl.u32 s12, $0x3;
	[dreg:$0x9] =	wrdreg s15  }
0x1b: {  	s15 =	sadd.s32 s1, s21;
	[dreg:$0xb] =	wrdreg s0;
	s21 =	sshrl.u32 s22, $0x3  }
0x1c: {  	s22 =	sshrl.u32 s23, $0x3;
	s24 =	sshrl.u32 s24, $0x3;
	s0 =	simm.s32 $0x2880  }
0x1d: {  	s10 =	simm.s32 $0x1;
	s8 =	sadd.s32 s1, s8;
	[dreg:$0xa] =	wrdreg s15  }
0x1e: {  	s12 =	simm.s32 $0x3;
	[dreg:$0x8] =	wrdreg s8;
	s8 =	sadd.s32 s20, s3  }
0x1f: {  	s1 =	simm.s32 $0x6900;
	s20 =	smov.u32 s19;
	s23 =	sshrl.u32 s8, $0x3  }
.LBB2_1:
0x20: {  	s8 =	rddreg [dreg:$0x4]  }
0x21: {  	s15 =	sshrl.u32 s8, $0x3  }
0x22: {  	[spmem:s15], [sflag:s9] =	dma.local [hbm:s7], $0x800  }
0x23: {  	_ =	swait.ge [sflag:s28], $0x800  }
0x24: {  	[sflag:s28] =	ssyncset.done $0x0  }
0x25: {  	s19 =	rddreg [dreg:$0xc];
	[sflag:s28] =	ssyncadd.s32 $0xFFFFF800  }
0x26: {  	[spmem:s19], [sflag:s9] =	dma.local [hbm:s7], $0x800  }
0x27: {  	_ =	swait.ge [sflag:s28], $0x800  }
0x28: {  	[sflag:s28] =	ssyncset.done $0x0  }
0x29: {  	s16 =	rddreg [dreg:$0xd];
	[sflag:s28] =	ssyncadd.s32 $0xFFFFF800  }
0x2a: {  	[spmem:s16], [sflag:s9] =	dma.local [hbm:s7], $0x800  }
0x2b: {  	_ =	swait.ge [sflag:s28], $0x800  }
0x2c: {  	[sflag:s28] =	ssyncset.done $0x0  }
0x2d: {  	s17 =	rddreg [dreg:$0xe];
	[sflag:s28] =	ssyncadd.s32 $0xFFFFF800  }
0x2e: {  	[spmem:s17], [sflag:s9] =	dma.local [hbm:s7], $0x800  }
0x2f: {  	_ =	swait.ge [sflag:s28], $0x800  }
0x30: {  	[sflag:s28] =	ssyncset.done $0x0  }
0x31: {  	[sflag:s28] =	ssyncadd.s32 $0xFFFFF800  }
0x32: {  	[spmem:s21], [sflag:s9] =	dma.local [hbm:s7], $0x800  }
0x33: {  	_ =	swait.ge [sflag:s28], $0x800  }
0x34: {  	[sflag:s28] =	ssyncset.done $0x0  }
0x35: {  	s18 =	rddreg [dreg:$0x5];
	[sflag:s28] =	ssyncadd.s32 $0xFFFFF800  }
0x36: {  	[tilespmem:s4], [sflag:$0x5] =	stream.linear.gather [hbm4b:s18+s4], $0x2800, $0x38;
	[tilespmem:$0x1E900] =	vst v63  }
0x37: {  	_ =	swait.ge [sflag:s28], $0x2800  }
0x38: {  	[sflag:s28] =	ssyncset.done $0x0  }
0x39: {  	[sflag:s28] =	ssyncadd.s32 $0xFFFFD800  }
0x3a: {  	[bflag:$0x0] =	sbarrier.arrive $0xFFFF  }
0x3b: {  	[tilespmem:s30], [sflag:$0x1] =	stream.indirect.gather [hbm4b:s6+s29], $0x80, s4, s29, $0xb8;
	[tilespmem:$0x1E900] =	vst v63  }
0x3c: {  	_ = 	snop  }
0x3d: {  	[tilespmem:s31], [sflag:$0x3] =	stream.linear.gather [hbm4b:s20+s4], $0x80, $0x38;
	[tilespmem:$0x1E900] =	vst v63  }
0x3e: {  	_ = 	snop  }
0x3f: {  	[tilespmem:s1], [sflag:$0x2] =	stream.indirect.gather [hbm4b:s6+s29], $0x80, s29, s29, $0xb8;
	[tilespmem:$0x1E900] =	vst v63  }
0x40: {  	_ = 	snop  }
0x41: {  	[tilespmem:s0], [sflag:$0x4] =	stream.linear.gather [hbm4b:s26+s4], $0x80, $0x38;
	[tilespmem:$0x1E900] =	vst v63  }
0x42: {  	_ =	swait.ge [sflag:s10], $0x4000  }
0x43: {  	[sflag:s10] =	ssyncset.done $0x0  }
0x44: {  	[sflag:s10] =	ssyncadd.s32 $0xFFFFC000  }
0x45: {  	_ =	swait.ge [sflag:s12], $0x80  }
0x46: {  	s19 =	simm.s32 $0x100;
	[sflag:s12] =	ssyncset.done $0x0  }
0x47: {  	s16 =	sand.u32 $0x7C00, s19;
	[sflag:s12] =	ssyncadd.s32 $0xFFFFFF80  }
0x48: {  	[spmem:s3] =	stream.indirect.scatter.add.f32 [tilespmem:s30], [sflag:$0x5], $0x80, s31, s29, $0xb8;
	[tilespmem:$0x1E900] =	vst v63  }
0x49: {  	s8 =	sand.u32 $0x300, s19;
	s17 =	sadd.s32 s5, s16;
	_ =	swait.ge [sflag:s28], $0x4000  }
0x4a: {  	s8 =	sor.u32 s8, s17;
	[sflag:s28] =	ssyncset.done $0x0  }
0x4b: {  	s16 =	simm.s32 $0x100;
	s8 =	sshrl.u32 s8, $0x3;
	[sflag:s28] =	ssyncadd.s32 $0xFFFFC000  }
0x4c: {  	[tilespmem:s30], [sflag:$0x1] =	stream.indirect.gather [hbm4b:s6+s29], $0x80, s16, s29, $0xb8;
	[tilespmem:$0x1E900] =	vst v63  }
0x4d: {  	s8 =	sadd.s32 s2, s8  }
0x4e: {  	[tilespmem:s31], [sflag:$0x3] =	stream.linear.gather [hbm4b:s8+s4], $0x80, $0x38;
	[tilespmem:$0x1E900] =	vst v63  }
0x4f: {  	_ =	swait.ge [sflag:s13], $0x4000  }
0x50: {  	[sflag:s13] =	ssyncset.done $0x0  }
0x51: {  	[sflag:s13] =	ssyncadd.s32 $0xFFFFC000  }
0x52: {  	_ =	swait.ge [sflag:s11], $0x80  }
0x53: {  	s8 =	simm.s32 $0x180;
	[sflag:s11] =	ssyncset.done $0x0  }
0x54: {  	s19 =	sand.u32 $0x7C00, s8;
	[sflag:s11] =	ssyncadd.s32 $0xFFFFFF80  }
0x55: {  	[spmem:s3] =	stream.indirect.scatter.add.f32 [tilespmem:s1], [sflag:$0x5], $0x80, s0, s29, $0xb8;
	[tilespmem:$0x1E900] =	vst v63  }
0x56: {  	s8 =	sand.u32 $0x380, s8;
	s17 =	sadd.s32 s5, s19;
	_ =	swait.ge [sflag:s28], $0x4000  }
0x57: {  	s18 =	simm.s32 $0x180;
	s8 =	sor.u32 s8, s17;
	[sflag:s28] =	ssyncset.done $0x0  }
0x58: {  	s17 =	simm.s32 $0x280;
	s8 =	sshrl.u32 s8, $0x3;
	[sflag:s28] =	ssyncadd.s32 $0xFFFFC000  }
0x59: {  	[tilespmem:s1], [sflag:$0x2] =	stream.indirect.gather [hbm4b:s6+s29], $0x80, s18, s29, $0xb8;
	[tilespmem:$0x1E900] =	vst v63  }
.LBB2_2:
0x5a: {  	p0 =	sne.s32 s17, $0x2780;
	s8 =	sadd.s32 s2, s8;
	s16 =	sadd.s32 $0x100, s16  }
0x5b: {  	[tilespmem:s0], [sflag:$0x4] =	stream.linear.gather [hbm4b:s8+s4], $0x80, $0x38;
	[tilespmem:$0x1E900] =	vst v63  }
0x5c: {  	s8 =	smov.u32 s17;
	s17 =	sadd.s32 $0x100, s17;
	_ =	swait.ge [sflag:s10], $0x4000  }
0x5d: {  	[sflag:s10] =	ssyncset.done $0x0  }
0x5e: {  	[sflag:s10] =	ssyncadd.s32 $0xFFFFC000  }
0x5f: {  	_ =	swait.ge [sflag:s12], $0x80  }
0x60: {  	[sflag:s12] =	ssyncset.done $0x0  }
0x61: {  	s18 =	sadd.s32 $0xFFFFFF80, s8;
	[sflag:s12] =	ssyncadd.s32 $0xFFFFFF80  }
0x62: {  	[spmem:s3] =	stream.indirect.scatter.add.f32 [tilespmem:s30], [sflag:$0x5], $0x80, s31, s29, $0xb8;
	[tilespmem:$0x1E900] =	vst v63  }
0x63: {  	s19 =	sand.u32 $0x7C00, s18;
	_ =	swait.ge [sflag:s28], $0x4000  }
0x64: {  	s18 =	sand.u32 $0x300, s18;
	s19 =	sadd.s32 s5, s19;
	[sflag:s28] =	ssyncset.done $0x0  }
0x65: {  	s18 =	sor.u32 s18, s19;
	[sflag:s28] =	ssyncadd.s32 $0xFFFFC000  }
0x66: {  	[tilespmem:s30], [sflag:$0x1] =	stream.indirect.gather [hbm4b:s6+s29], $0x80, s16, s29, $0xb8;
	[tilespmem:$0x1E900] =	vst v63  }
0x67: {  	s18 =	sshrl.u32 s18, $0x3  }
0x68: {  	s18 =	sadd.s32 s2, s18  }
0x69: {  	[tilespmem:s31], [sflag:$0x3] =	stream.linear.gather [hbm4b:s18+s4], $0x80, $0x38;
	[tilespmem:$0x1E900] =	vst v63  }
0x6a: {  	_ =	swait.ge [sflag:s13], $0x4000  }
0x6b: {  	[sflag:s13] =	ssyncset.done $0x0  }
0x6c: {  	[sflag:s13] =	ssyncadd.s32 $0xFFFFC000  }
0x6d: {  	_ =	swait.ge [sflag:s11], $0x80  }
0x6e: {  	[sflag:s11] =	ssyncset.done $0x0  }
0x6f: {  	s18 =	sand.u32 $0x7C00, s8;
	[sflag:s11] =	ssyncadd.s32 $0xFFFFFF80  }
0x70: {  	[spmem:s3] =	stream.indirect.scatter.add.f32 [tilespmem:s1], [sflag:$0x5], $0x80, s0, s29, $0xb8;
	[tilespmem:$0x1E900] =	vst v63  }
.Ltmp0:
0x71: {  	_ = 	snop;
	(pc) =	sbr.rel @p0 .LBB2_2-.Ltmp0, $4  }
0x72: {  	s8 =	sand.u32 $0x380, s8;
	s18 =	sadd.s32 s5, s18;
	_ =	swait.ge [sflag:s28], $0x4000  }
0x73: {  	s8 =	sor.u32 s8, s18;
	[sflag:s28] =	ssyncset.done $0x0  }
0x74: {  	s18 =	sadd.s32 $0x80, s16;
	s8 =	sshrl.u32 s8, $0x3;
	[sflag:s28] =	ssyncadd.s32 $0xFFFFC000  }
0x75: {  	[tilespmem:s1], [sflag:$0x2] =	stream.indirect.gather [hbm4b:s6+s29], $0x80, s18, s29, $0xb8;
	[tilespmem:$0x1E900] =	vst v63  }
0x76: {  	s8 =	sadd.s32 s2, s8  }
0x77: {  	[tilespmem:s0], [sflag:$0x4] =	stream.linear.gather [hbm4b:s8+s4], $0x80, $0x38;
	[tilespmem:$0x1E900] =	vst v63  }
0x78: {  	_ =	swait.ge [sflag:s10], $0x4000  }
0x79: {  	[sflag:s10] =	ssyncset.done $0x0  }
0x7a: {  	[sflag:s10] =	ssyncadd.s32 $0xFFFFC000  }
0x7b: {  	_ =	swait.ge [sflag:s12], $0x80  }
0x7c: {  	[sflag:s12] =	ssyncset.done $0x0  }
0x7d: {  	[sflag:s12] =	ssyncadd.s32 $0xFFFFFF80  }
0x7e: {  	[spmem:s3] =	stream.indirect.scatter.add.f32 [tilespmem:s30], [sflag:$0x5], $0x80, s31, s29, $0xb8;
	[tilespmem:$0x1E900] =	vst v63  }
0x7f: {  	_ =	swait.ge [sflag:s28], $0x4000  }
0x80: {  	[sflag:s28] =	ssyncset.done $0x0  }
0x81: {  	[sflag:s28] =	ssyncadd.s32 $0xFFFFC000  }
0x82: {  	_ =	swait.ge [sflag:s13], $0x4000  }
0x83: {  	[sflag:s13] =	ssyncset.done $0x0  }
0x84: {  	[sflag:s13] =	ssyncadd.s32 $0xFFFFC000  }
0x85: {  	_ =	swait.ge [sflag:s11], $0x80  }
0x86: {  	[sflag:s11] =	ssyncset.done $0x0  }
0x87: {  	[sflag:s11] =	ssyncadd.s32 $0xFFFFFF80  }
0x88: {  	[spmem:s3] =	stream.indirect.scatter.add.f32 [tilespmem:s1], [sflag:$0x5], $0x80, s0, s29, $0xb8;
	[tilespmem:$0x1E900] =	vst v63  }
0x89: {  	_ =	swait.ge [sflag:s28], $0x4000  }
0x8a: {  	[sflag:s28] =	ssyncset.done $0x0  }
0x8b: {  	[sflag:s28] =	ssyncadd.s32 $0xFFFFC000  }
0x8c: {  	[bflag:$0x0] =	sbarrier.arrive $0xFFFF  }
0x8d: {  	s19 =	rddreg [dreg:$0x6]  }
0x8e: {  	[hbm:s19], [sflag:s9] =	dma.local [spmem:s15], $0x800  }
0x8f: {  	_ =	swait.ge [sflag:s28], $0x800  }
0x90: {  	[sflag:s28] =	ssyncset.done $0x0  }
0x91: {  	s15 =	rddreg [dreg:$0x8];
	[sflag:s28] =	ssyncadd.s32 $0xFFFFF800  }
0x92: {  	[hbm:s15], [sflag:s9] =	dma.local [spmem:s22], $0x800  }
0x93: {  	_ =	swait.ge [sflag:s28], $0x800  }
0x94: {  	[sflag:s28] =	ssyncset.done $0x0  }
0x95: {  	s16 =	rddreg [dreg:$0x9];
	[sflag:s28] =	ssyncadd.s32 $0xFFFFF800  }
0x96: {  	[hbm:s16], [sflag:s9] =	dma.local [spmem:s23], $0x800  }
0x97: {  	_ =	swait.ge [sflag:s28], $0x800  }
0x98: {  	[sflag:s28] =	ssyncset.done $0x0  }
0x99: {  	s17 =	rddreg [dreg:$0xa];
	[sflag:s28] =	ssyncadd.s32 $0xFFFFF800  }
0x9a: {  	[hbm:s17], [sflag:s9] =	dma.local [spmem:s24], $0x800  }
0x9b: {  	_ =	swait.ge [sflag:s28], $0x800  }
0x9c: {  	[sflag:s28] =	ssyncset.done $0x0  }
0x9d: {  	s18 =	rddreg [dreg:$0xb];
	[sflag:s28] =	ssyncadd.s32 $0xFFFFF800  }
0x9e: {  	[hbm:s18], [sflag:s9] =	dma.local [spmem:s25], $0x800  }
0x9f: {  	_ =	swait.ge [sflag:s28], $0x800  }
0xa0: {  	s14 =	sadd.s32 $0x1, s14;
	s19 =	rddreg [dreg:$0x7]  }
0xa1: {  	p0 =	sne.s32 s14, s19  }
.Ltmp1:
0xa2: {  	_ = 	snop;
	(pc) =	sbr.rel @p0 .LBB2_1-.Ltmp1, $3  }
0xa3: {  	_ =	sdelay $0x1  }
0xa4: {  	[sflag:s28] =	ssyncset.done $0x0  }
0xa5: {  	[sflag:s28] =	ssyncadd.s32 $0xFFFFF800  }
0xa6: {  	_ =	sfence.sel $0x180000  }
0xa7: {  	[bflag:$0x0] =	sbarrier.arrive $0xFFFF  }
0xa8: {  	_ =	strace $0x9000004D  }
0xa9: {  	s0 =	stileid.u32;
	[bflag:$0x2] =	sbarrier.arrive $0xFFFF  }
0xaa: {  	p0 =	sne.s32 s0, $0x0;
	s0 =	rddreg [dreg:$0x3]  }
0xab: {  	s0 =	sadd.s32 @!p0 $0x100000, s0  }
0xac: {  	[sflag:s0] =	ssyncadd.tile.s32 @!p0 $0x1;
	_ =	shalt  }
.Lfunc_end2:
_tile_overlayer_lowered:
.L_overlay_start_2:
0xad: {  	(tag) =	ssettag $0x2  }
0xae: {  	s0 =	rddreg [dreg:$0x0];
	s2 =	stileid.u32  }
0xaf: {  	s1 =	rddreg [dreg:$0x1];
	p0 =	sne.s32 s2, $0x0  }
0xb0: {  	s3 =	rddreg [dreg:$0x2];
	[bflag:$0x3] =	sbarrier.arrive $0xFFFF;
	s2 =	simm.s32 @!p0 $0x1C05  }
0xb1: {  	[timem:s3], [sflag:s2] =	dma.local @!p0 [hbm:s0], s1  }
0xb2: {  	s0 =	simm.s32 @!p0 $0x5  }
0xb3: {  	_ =	swait.ge @!p0 [sflag:s0], s1  }
0xb4: {  	s1 =	ssub.s32 @!p0 $0x0, s1;
	[sflag:s0] =	ssyncset.done @!p0 $0x0  }
0xb5: {  	[sflag:s0] =	ssyncadd.s32 @!p0 s1  }
0xb6: {  	[bflag:$0x3] =	sbarrier.arrive $0xFFFF  }
0xb7: {  	_ =	shalt  }

// kernel: kernel.8.cloned.1.call-start
scs
__scs_entry_jumppad:
0x0: {  	(pc) =	sbr.rel $0x88, $3  }
0x1: {  	(tag) =	ssettag $0x0;
	lr =	simm.s32 $0x1  }
0x2: {  	[smem:$0x3F9B] =	sst lr;
	_ =	strace $0xD0000000  }
0x3: {  	_ = 	snop  }
0x4: {  	_ = 	snop  }
0x5: {  	_ = 	snop  }
0x6: {  	_ = 	snop  }
0x7: {  	_ = 	snop  }
__scs_overlays_trampoline_lowered:
0x8: {  	[smem:$0x3FAA] =	sst s0  }
0x9: {  	[smem:$0x3FAB] =	sst s1  }
0xa: {  	[smem:$0x3FAC] =	sst s2  }
0xb: {  	[smem:$0x3FAD] =	sst s3  }
0xc: {  	[smem:$0x3FAE] =	sst s4  }
0xd: {  	[smem:$0x3FAF] =	sst s5  }
0xe: {  	[smem:$0x3FB0] =	sst s6  }
0xf: {  	[smem:$0x3FB1] =	sst s7  }
0x10: {  	[smem:$0x3FB2] =	sst s8  }
0x11: {  	[smem:$0x3FB3] =	sst s9;
	s0 =	simm.s32 @!p0 $0x0  }
0x12: {  	s1 =	sld [smem:$0x3F99];
	s0 =	simm.s32 @p0 $0x1  }
0x13: {  	[smem:$0x3FB4] =	sst s0;
	s0 =	simm.s32 @!p1 $0x0  }
0x14: {  	s2 =	sld [smem:$0x3F98];
	s0 =	simm.s32 @p1 $0x1  }
0x15: {  	[smem:$0x3FB5] =	sst s0;
	s0 =	simm.s32 @!p2 $0x0  }
0x16: {  	s3 =	sld [smem:$0x3FDB];
	s0 =	simm.s32 @p2 $0x1  }
0x17: {  	s4 =	simm.s32 $0x1BF5;
	[smem:$0x3FB7] =	sst s0  }
0x18: {  	s0 =	sld [smem:$0x3F9A];
	_ =	swait.ge [sflag:s4], $0x0  }
0x19: {  	s7 =	sld [smem:$0x3F9B]  }
0x1a: {  	s8 =	sadd.s32 $0xFFFFE003, lr  }
0x1b: {  	s9 =	sadd.s32 $0xFFFFFEF7, lr;
	s5 =	simm.s32 $0xFFFFFFFF;
	p2 =	slt.u32 s8, $0xFFFFF086  }
0x1c: {  	p1 =	slt.u32 s9, $0xF7A;
	s5 =	simm.s32 @!p2 $0x0  }
0x1d: {  	s5 =	simm.s32 @p1 $0x1;
	p0 =	seq.s32 s7, s2  }
0x1e: {  	s7 =	smul.u32 @!p0 $0xF7A, s2;
	p2 =	seq.s32 @!p0 s5, $0x0  }
0x1f: {  	s9 =	smul.u32 $0xF7A, s1;
	s8 =	simm.s32 @!p0 $0x1BF5;
	p2 =	por !p2, p0  }
0x20: {  	[sflag:s8] =	ssyncset.s32 @!p0 $0xFFFFF086;
	s6 =	sadd.s32 @!p0 s3, s7;
	s7 =	simm.s32 @!p0 $0x108  }
0x21: {  	s3 =	sadd.s32 s3, s9;
	s6 =	sadd.s32 @!p0 $0x88, s6;
	s7 =	simm.s32 @p2 $0x1082  }
0x22: {  	[simem:s7], [sflag:s8] =	dma.local @!p0 [hbm:s6], $0xF7A  }
0x23: {  	s9 =	sor.u32 $0xD0000000, s2;
	s6 =	simm.s32 $0x108;
	_ =	swait.ge @!p0 [sflag:s8], $0x0  }
0x24: {  	s3 =	sadd.s32 $0x88, s3;
	s6 =	simm.s32 @!p1 $0x1082;
	[sflag:s4] =	ssyncset.s32 $0xFFFFF086  }
0x25: {  	[simem:s6], [sflag:s4] =	dma.local [hbm:s3], $0xF7A  }
0x26: {  	[smem:$0x3F9B] =	sst s1;
	(tag) =	ssettag s2;
	_ =	strace s9  }
0x27: {  	s1 =	sld [smem:$0x3FAB]  }
0x28: {  	s2 =	sld [smem:$0x3FAC]  }
0x29: {  	s4 =	sld [smem:$0x3FAE]  }
0x2a: {  	p0 =	seq.s32 s5, $0x0;
	s5 =	sld [smem:$0x3FAF]  }
0x2b: {  	s6 =	sld [smem:$0x3FB0]  }
0x2c: {  	s7 =	sld [smem:$0x3FB1]  }
0x2d: {  	s3 =	simm.s32 $0x108;
	s8 =	sld [smem:$0x3FB2]  }
0x2e: {  	s3 =	simm.s32 @!p0 $0x1082;
	s9 =	sld [smem:$0x3FB3]  }
0x2f: {  	lr =	sadd.s32 s0, s3;
	s0 =	sld [smem:$0x3FAA]  }
0x30: {  	s3 =	sld [smem:$0x3FAD]  }
0x31: {  	[smem:$0x3FB6] =	sst s10  }
0x32: {  	s10 =	sld [smem:$0x3FB4];
	_ =	sdelay $0x3  }
0x33: {  	p0 =	seq.s32 s10, $0x1;
	s10 =	sld [smem:$0x3FB6];
	_ =	sdelay $0x3  }
0x34: {  	[smem:$0x3FB6] =	sst s10  }
0x35: {  	s10 =	sld [smem:$0x3FB5];
	_ =	sdelay $0x3  }
0x36: {  	p1 =	seq.s32 s10, $0x1;
	s10 =	sld [smem:$0x3FB6];
	_ =	sdelay $0x3  }
0x37: {  	[smem:$0x3FB6] =	sst s10  }
0x38: {  	s10 =	sld [smem:$0x3FB7]  }
0x39: {  	_ = 	snop;
	(pc) =	sbr.ind lr, $3  }
0x3a: {  	_ = 	snop  }
0x3b: {  	_ = 	snop  }
0x3c: {  	p2 =	seq.s32 s10, $0x1;
	s10 =	sld [smem:$0x3FB6]  }
0x3d: {  	_ =	shalt  }
0x3e: {  	_ =	shalt  }
0x3f: {  	_ =	shalt  }
0x40: {  	_ =	shalt  }
0x41: {  	_ =	shalt  }
0x42: {  	_ =	shalt  }
0x43: {  	_ =	shalt  }
0x44: {  	_ =	shalt  }
0x45: {  	_ =	shalt  }
0x46: {  	_ =	shalt  }
0x47: {  	_ =	shalt  }
0x48: {  	_ =	shalt  }
0x49: {  	_ =	shalt  }
0x4a: {  	_ =	shalt  }
0x4b: {  	_ =	shalt  }
0x4c: {  	_ =	shalt  }
0x4d: {  	_ =	shalt  }
0x4e: {  	_ =	shalt  }
0x4f: {  	_ =	shalt  }
0x50: {  	_ =	shalt  }
0x51: {  	_ =	shalt  }
0x52: {  	_ =	shalt  }
0x53: {  	_ =	shalt  }
0x54: {  	_ =	shalt  }
0x55: {  	_ =	shalt  }
0x56: {  	_ =	shalt  }
0x57: {  	_ =	shalt  }
0x58: {  	_ =	shalt  }
0x59: {  	_ =	shalt  }
0x5a: {  	_ =	shalt  }
0x5b: {  	_ =	shalt  }
0x5c: {  	_ =	shalt  }
0x5d: {  	_ =	shalt  }
0x5e: {  	_ =	shalt  }
0x5f: {  	_ =	shalt  }
0x60: {  	_ =	shalt  }
0x61: {  	_ =	shalt  }
0x62: {  	_ =	shalt  }
0x63: {  	_ =	shalt  }
0x64: {  	_ =	shalt  }
0x65: {  	_ =	shalt  }
0x66: {  	_ =	shalt  }
0x67: {  	_ =	shalt  }
0x68: {  	_ =	shalt  }
0x69: {  	_ =	shalt  }
0x6a: {  	_ =	shalt  }
0x6b: {  	_ =	shalt  }
0x6c: {  	_ =	shalt  }
0x6d: {  	_ =	shalt  }
0x6e: {  	_ =	shalt  }
0x6f: {  	_ =	shalt  }
0x70: {  	_ =	shalt  }
0x71: {  	_ =	shalt  }
0x72: {  	_ =	shalt  }
0x73: {  	_ =	shalt  }
0x74: {  	_ =	shalt  }
0x75: {  	_ =	shalt  }
0x76: {  	_ =	shalt  }
0x77: {  	_ =	shalt  }
0x78: {  	_ =	shalt  }
0x79: {  	_ =	shalt  }
0x7a: {  	_ =	shalt  }
0x7b: {  	_ =	shalt  }
0x7c: {  	_ =	shalt  }
0x7d: {  	_ =	shalt  }
0x7e: {  	_ =	shalt  }
0x7f: {  	_ =	shalt  }
0x80: {  	_ =	shalt  }
0x81: {  	_ =	shalt  }
0x82: {  	_ =	shalt  }
0x83: {  	_ =	shalt  }
0x84: {  	_ =	shalt  }
0x85: {  	_ =	shalt  }
0x86: {  	_ =	shalt  }
0x87: {  	_ =	shalt  }
.Lfunc_end0:
.L_simem_size_0:
called_computation_lowered:
.L_overlay_start_0:
0x88: {  	s2 =	sld [smem:$0x3FD9]  }
0x89: {  	s3 =	sld [smem:$0x3FFE];
	_ =	sdelay $0x1  }
0x8a: {  	s1 =	srdreg.scid  }
0x8b: {  	s0 =	sand.u32 $0x1, s1  }
0x8c: {  	s17 =	sshll.u32 s0, $0xA;
	s2 =	sadd.s32 s3, s2  }
0x8d: {  	s2 =	sadd.s32 s2, s17  }
0x8e: {  	[smem:$0x3FC2] =	sst s2  }
0x8f: {  	_ = 	snop  }
0x90: {  	s2 =	sld [smem:$0x3FD0];
	(tm) =	ssettm $0x1  }
0x91: {  	s18 =	sld [smem:$0x3FFB];
	_ =	sdelay $0x3  }
0x92: {  	_ =	strace s18  }
0x93: {  	s3 =	sld [smem:$0x3FFC];
	_ =	sdelay $0x3  }
0x94: {  	_ =	strace s3  }
0x95: {  	s3 =	sld [smem:$0x3FFD];
	_ =	sdelay $0x3  }
0x96: {  	_ =	strace s3  }
0x97: {  	_ =	strace $0x8FFFFFFF  }
0x98: {  	s19 =	sld [smem:$0x3FDB];
	_ =	sdelay $0x1  }
0x99: {  	s4 =	simm.s32 $_scs_section_size  }
0x9a: {  	s5 =	simm.s32 $_size__tile_overlayer_lowered;
	s6 =	simm.s32 $_tile_overlayer_lowered  }
0x9b: {  	s22 =	simm.s32 $0x1BFF;
	s21 =	sshll.u32 s6, $0x1;
	s3 =	sadd.s32 s4, s19  }
0x9c: {  	s7 =	simm.s32 $0x0;
	s20 =	sshll.u32 s5, $0x1;
	s5 =	sadd.s32 s21, s3  }
0x9d: {  	[timem:s7], [sflag:s22] =	dma.local [hbm:s5], s20  }
0x9e: {  	_ =	swait.ge [sflag:s22], s20  }
0x9f: {  	s4 =	ssub.s32 $0x0, s20;
	[sflag:s22] =	ssyncset.done $0x0  }
0xa0: {  	[sflag:s22] =	ssyncadd.s32 s4;
	_ =	sdelay $0x1  }
0xa1: {  	s23 =	simm.s32 $0x1B8B  }
0xa2: {  	_ =	swait.ge [sflag:s23], $0x1  }
0xa3: {  	[sflag:s23] =	ssyncset.done $0x0  }
0xa4: {  	s25 =	simm.s32 $0x1B8E;
	s24 =	sld [smem:$0x3FFE];
	[sflag:s23] =	ssyncadd.s32 $0xFFFFFFFF  }
0xa5: {  	s26 =	simm.s32 $execute0_lowered;
	[smem:$0x3FD2] =	sst s25  }
0xa6: {  	s5 =	sshll.u32 s26, $0x1;
	_ =	strace $0x80000046;
	[dreg:$0x1] =	wrdreg $0xFFFFFFFF  }
0xa7: {  	s28 =	simm.s32 $_size_execute0_lowered;
	s3 =	sadd.s32 s3, s5;
	[dreg:$0x0] =	wrdreg $0x0  }
0xa8: {  	s5 =	sshll.u32 s28, $0x1;
	[dreg:$0x2] =	wrdreg s3  }
0xa9: {  	[dreg:$0x3] =	wrdreg s5  }
0xaa: {  	[dreg:$0x4] =	wrdreg $0xC0  }
0xab: {  	_ =	task [dreg:s7], $0x5FFFF  }
0xac: {  	[dreg:$0x1] =	wrdreg $0xFFFFFFFF  }
0xad: {  	[dreg:$0x0] =	wrdreg $0x60  }
0xae: {  	[dreg:$0x2] =	wrdreg s2  }
0xaf: {  	[dreg:$0x3] =	wrdreg s24  }
0xb0: {  	[dreg:$0x4] =	wrdreg $0x28800  }
0xb1: {  	[dreg:$0x5] =	wrdreg $0x9  }
0xb2: {  	_ =	task.clear_ibuf [dreg:s7], $0x6FFFF;
	_ =	strace $0x90000046  }
0xb3: {  	s29 =	simm.s32 $0x9;
	_ =	strace $0x80000048  }
0xb4: {  	_ =	swait.ge [sflag:s29], $0x1  }
0xb5: {  	[sflag:s29] =	ssyncadd.s32 $0xFFFFFFFF  }
0xb6: {  	_ =	strace $0x90000048  }
0xb7: {  	_ =	sfence  }
0xb8: {  	s30 =	sld [smem:$0x0];
	_ =	sdelay $0x2  }
0xb9: {  	s31 =	sshll.u32 s1, $0xD;
	s1 =	sshrl.u32 s1, $0x2  }
0xba: {  	s3 =	sand.u32 $0x4000, s31;
	s1 =	sadd.s32 s1, s30  }
0xbb: {  	s0 =	sor.u32 s3, s0;
	s1 =	sshll.u32 s1, $0x11  }
0xbc: {  	s0 =	sor.u32 s1, s0  }
0xbd: {  	s0 =	sadd.s32 $0x8F2B, s0  }
0xbe: {  	[sflag:s0] =	ssyncadd.remote.s32 $0x1  }
0xbf: {  	_ =	sfence.sel $0xFFFF  }
0xc0: {  	[dreg:$0x0] =	wrdreg $0xFFFFFFFF;
	(pc) =	sbr.abs _section_cstart, $3  }
0xc1: {  	[dreg:$0x1] =	wrdreg $0xFFFFFFFF  }
0xc2: {  	_ =	task.clear_ibuf [dreg:s7], $0x2FFFF;
	_ =	strace $0x9FFFFFFF  }
0xc3: {  	(tm) =	ssettm $0x7FFFFFFF  }
tec
execute0_lowered:
.L_overlay_start_1:
0x0: {  	(tag) =	ssettag $0x1  }
0x1: {  	s7 =	rddreg [dreg:$0x0]  }
0x2: {  	s6 =	rddreg [dreg:$0x1]  }
0x3: {  	s2 =	rddreg [dreg:$0x2]  }
0x4: {  	s0 =	rddreg [dreg:$0x3];
	s4 =	srdreg.scid  }
0x5: {  	s1 =	stileid.u32;
	s3 =	simm.s32 $0x0;
	s13 =	simm.s32 $0x80  }
0x6: {  	s14 =	simm.s32 $0x20;
	s15 =	simm.s32 $0x10;
	s16 =	simm.s32 $0x0  }
0x7: {  	s8 =	sand.u32 $0x1, s4;
	s5 =	smul.u32 $0x500, s1;
	[smem:$0x7FF] =	sst s3  }
0x8: {  	s4 =	sadd.s32 $0x2600, s6;
	s11 =	smul.u32 $0xA00, s1;
	s31 =	sshll.u32 s1, $0x6  }
0x9: {  	s9 =	sshll.u32 s8, $0x7;
	_ =	strace $0x80000047;
	s10 =	sshll.u32 s8, $0x4  }
0xa: {  	s8 =	ssub.s32 $0x2, s8;
	s9 =	sor.u32 s9, s5;
	s5 =	sadd.s32 $0x2800, s6  }
0xb: {  	s10 =	sor.u32 s1, s10;
	s29 =	sshrl.u32 s8, $0x1;
	s30 =	sshrl.u32 s11, $0x2  }
0xc: {  	s9 =	sshrl.u32 s9, $0x3;
	s10 =	smul.u32 $0x500, s10;
	s12 =	ssub.s32 s8, s29  }
0xd: {  	s11 =	sadd.s32 s30, s2;
	s9 =	sadd.s32 s9, s6;
	s6 =	sor.u32 $0x1C01, s31  }
0xe: {  	s7 =	sadd.s32 s7, s10;
	s8 =	sadd.s32 $0x2A00, s9;
	s9 =	smax.u32 s12, $0x1  }
0xf: {  	s10 =	sshrl.u32 s11, $0x3;
	s11 =	simm.s32 $0x1;
	s12 =	simm.s32 $0x2800  }
.LBB2_1:
0x10: {  	[spmem:s10], [sflag:s6] =	dma.local [hbm:s5], $0x50  }
0x11: {  	_ =	swait.ge [sflag:s11], $0x50  }
0x12: {  	[sflag:s11] =	ssyncset.done $0x0  }
0x13: {  	[sflag:s11] =	ssyncadd.s32 $0xFFFFFFB0  }
0x14: {  	[tilespmem:s12], [sflag:$0x1] =	stream.linear.gather [hbm4b:s4+s3], $0x80, $0x38;
	[tilespmem:$0x2B00] =	vst v63  }
0x15: {  	_ =	swait.ge [sflag:s11], $0x80  }
0x16: {  	[sflag:s11] =	ssyncset.done $0x0  }
0x17: {  	[sflag:s11] =	ssyncadd.s32 $0xFFFFFF80  }
0x18: {  	[tilespmem:s3], [sflag:$0x1] =	stream.linear.gather [hbm4b:s7+s3], $0x2800, $0x38;
	[tilespmem:$0x2B00] =	vst v63  }
0x19: {  	_ =	swait.ge [sflag:s11], $0x2800  }
0x1a: {  	[sflag:s11] =	ssyncset.done $0x0  }
0x1b: {  	[sflag:s11] =	ssyncadd.s32 $0xFFFFD800  }
0x1c: {  	s17 =	simm.s32 $0x0;
	[bflag:$0x0] =	sbarrier.arrive $0xFFFF  }
0x1d: {  	[spmem:s2] =	stream.indirect.scatter.add.f32 [tilespmem:s12], [sflag:$0x1], $0x1, s17, s13, $0xb8;
	[tilespmem:$0x2B00] =	vst v63  }
0x1e: {  	_ =	swait.ge [sflag:s11], $0x80  }
0x1f: {  	s17 =	simm.s32 $0x200;
	[sflag:s11] =	ssyncset.done $0x0  }
.LBB2_2:
0x20: {  	s18 =	sshra.s32 s17, $0x2;
	[sflag:s11] =	ssyncadd.s32 $0xFFFFFF80;
	p0 =	sne.s32 s17, $0x9E00  }
0x21: {  	[spmem:s2] =	stream.indirect.scatter.add.f32 [tilespmem:s12], [sflag:$0x1], $0x1, s18, s13, $0xb8;
	[tilespmem:$0x2B00] =	vst v63  }
.Ltmp0:
0x22: {  	_ = 	snop;
	(pc) =	sbr.rel @p0 .LBB2_2-.Ltmp0, $4  }
0x23: {  	_ = 	snop  }
0x24: {  	s17 =	sadd.s32 $0x200, s17  }
0x25: {  	_ =	swait.ge [sflag:s11], $0x80  }
0x26: {  	[sflag:s11] =	ssyncset.done $0x0  }
0x27: {  	s16 =	sadd.s32 $0x1, s16  }
0x28: {  	[sflag:s11] =	ssyncadd.s32 $0xFFFFFF80;
	p0 =	sne.s32 s16, s9  }
.Ltmp1:
0x29: {  	[bflag:$0x0] =	sbarrier.arrive $0xFFFF;
	(pc) =	sbr.rel @p0 .LBB2_1-.Ltmp1, $4  }
0x2a: {  	[hbm:s8@s14], [sflag:s6] =	dma.strided [spmem:s10@s15], $0x50, s11, $0x10   }
0x2b: {  	_ =	swait.ge [sflag:s11], $0x50  }
0x2c: {  	[sflag:s11] =	ssyncset.done $0x0  }
0x2d: {  	[sflag:s11] =	ssyncadd.s32 $0xFFFFFFB0  }
0x2e: {  	_ =	sfence.sel $0x180000  }
0x2f: {  	[bflag:$0x0] =	sbarrier.arrive $0xFFFF  }
0x30: {  	p0 =	sne.s32 s1, $0x0;
	_ =	strace $0x90000047  }
0x31: {  	s0 =	sadd.s32 @!p0 $0x100000, s0;
	[bflag:$0x2] =	sbarrier.arrive $0xFFFF  }
0x32: {  	[sflag:s0] =	ssyncadd.tile.s32 @!p0 $0x1;
	_ =	shalt  }
.Lfunc_end2:
_tile_overlayer_lowered:
.L_overlay_start_2:
0x33: {  	(tag) =	ssettag $0x2  }
0x34: {  	s0 =	rddreg [dreg:$0x0];
	s2 =	stileid.u32  }
0x35: {  	s1 =	rddreg [dreg:$0x1];
	p0 =	sne.s32 s2, $0x0  }
0x36: {  	s3 =	rddreg [dreg:$0x2];
	[bflag:$0x3] =	sbarrier.arrive $0xFFFF;
	s2 =	simm.s32 @!p0 $0x1C01  }
0x37: {  	[timem:s3], [sflag:s2] =	dma.local @!p0 [hbm:s0], s1  }
0x38: {  	s0 =	simm.s32 @!p0 $0x1  }
0x39: {  	_ =	swait.ge @!p0 [sflag:s0], s1  }
0x3a: {  	s1 =	ssub.s32 @!p0 $0x0, s1;
	[sflag:s0] =	ssyncset.done @!p0 $0x0  }
0x3b: {  	[sflag:s0] =	ssyncadd.s32 @!p0 s1  }
0x3c: {  	[bflag:$0x3] =	sbarrier.arrive $0xFFFF  }
0x3d: {  	_ =	shalt  }

</sc_bundles>
